<compile_context>
chip_gen: v7x
topology: tpu7x:2x2x1
jax: 0.10.2.dev20260603
libtpu: 0.0.44.dev20260713+nightly
codegen_flags: <defaults>
</compile_context>

<pallas_src>
import jax
import jax.numpy as jnp
from jax import lax
from jax.experimental import pallas as pl
from jax.experimental.pallas import tpu as pltpu
from jax.experimental.pallas import tpu_sc as plsc

NUM_KNNS = 200
NUM_CLASSES = 1000
TEMP = 0.07
TILE = 32
NTSEL = 256
NCPAD = 1024
NW = 32
LANES = 16


def _k1_body(f_ref, q_ref, sims_ref, t32_ref):
    f = f_ref[...]
    q = q_ref[...]
    sim = lax.dot_general(f, q, (((1,), (1,)), ((), ())),
                          precision=lax.Precision.HIGHEST)
    sims_ref[...] = sim
    rb, cb = sim.shape
    t32_ref[...] = jnp.max(sim.reshape(rb, cb // TILE, TILE), axis=-1)


def _f32_key(x):
    u = lax.bitcast_convert_type(x, jnp.uint32)
    flip = jnp.where((u >> 31) > 0, jnp.uint32(0xFFFFFFFF),
                     jnp.uint32(0x80000000))
    return u ^ flip


def _key_to_f32(k):
    flip = jnp.where((k >> 31) > 0, jnp.uint32(0x80000000),
                     jnp.uint32(0xFFFFFFFF))
    return lax.bitcast_convert_type(k ^ flip, jnp.float32)


def _k2_body(t32_ref, thr_ref, rowmax_ref):
    t = t32_ref[...]
    rowmax_ref[...] = jnp.max(t, axis=1, keepdims=True)
    keys = _f32_key(t)
    rb = t.shape[0]
    lo = jnp.zeros((rb, 1), jnp.uint32)
    hi = jnp.full((rb, 1), 0xFFFFFFFE, jnp.uint32)

    def body(_, carry):
        lo, hi = carry
        mid = lo + (hi - lo + jnp.uint32(1)) // jnp.uint32(2)
        cnt = jnp.sum((keys >= mid).astype(jnp.int32), axis=1, keepdims=True)
        ge = cnt >= NUM_KNNS
        return (jnp.where(ge, mid, lo), jnp.where(ge, hi, mid - jnp.uint32(1)))

    lo, hi = lax.fori_loop(0, 33, body, (lo, hi))
    thr_ref[...] = _key_to_f32(lo)


SEL_UNROLL = 8


def _sc_body(sims2d_hbm, t32_hbm, thr_hbm, rowmax_hbm, qlab_hbm, out_hbm,
             labels_v, t32row2_v, tilesel_v, rowsel_v, gathered_v, thr_v,
             rm_v, scores_v, preds_v, sem_t, sem_g):
    nt = t32row2_v.shape[1]
    rpw = preds_v.shape[0]
    wid = lax.axis_index("s") * 2 + lax.axis_index("c")
    base = wid * rpw
    lane = lax.iota(jnp.int32, LANES)

    pltpu.sync_copy(qlab_hbm, labels_v)
    pltpu.sync_copy(thr_hbm.at[pl.ds(base, rpw)], thr_v.at[pl.ds(0, rpw)])
    pltpu.sync_copy(rowmax_hbm.at[pl.ds(base, rpw)], rm_v.at[pl.ds(0, rpw)])
    pltpu.async_copy(t32_hbm.at[base], t32row2_v.at[0], sem_t)

    def row_body(i, _):
        r = base + i
        slot = lax.rem(i, 2)
        thr_sc = thr_v[pl.ds(i, LANES)][0]
        rm_sc = rm_v[pl.ds(i, LANES)][0]
        thr_s = jnp.full((LANES,), thr_sc)
        rowbase = r * nt

        pltpu.make_async_copy(t32_hbm.at[r], t32row2_v.at[slot], sem_t).wait()

        def sel(j0, cnt):
            for u in range(SEL_UNROLL):
                j = j0 * SEL_UNROLL + u
                tv = t32row2_v[slot, pl.ds(j * LANES, LANES)]
                m = (tv >= thr_s) & (cnt < NTSEL - LANES)
                gidx = rowbase + j * LANES + lane
                start = jnp.minimum(cnt, NTSEL - LANES)
                plsc.store_compressed(tilesel_v.at[pl.ds(start, LANES)],
                                      gidx, mask=m)
                plsc.store_compressed(rowsel_v.at[pl.ds(start, LANES)],
                                      gidx, mask=m)
                cnt = cnt + jnp.sum(m.astype(jnp.int32))
            return cnt

        cnt = lax.fori_loop(0, nt // (LANES * SEL_UNROLL), sel, jnp.int32(0))

        def zpad(j0, _):
            start = jnp.minimum(cnt + j0 * LANES, NTSEL - LANES)
            rowsel_v[pl.ds(start, LANES)] = jnp.zeros((LANES,), jnp.int32)
            return 0

        lax.fori_loop(0, (NTSEL - cnt + LANES - 1) // LANES, zpad, 0)

        gather = pltpu.async_copy(sims2d_hbm.at[rowsel_v], gathered_v, sem_g)
        rn = jnp.minimum(r + 1, base + rpw - 1)
        pltpu.async_copy(t32_hbm.at[rn], t32row2_v.at[1 - slot], sem_t)
        for j in range(NCPAD // LANES):
            scores_v[pl.ds(j * LANES, LANES)] = jnp.zeros((LANES,),
                                                          jnp.float32)
        gather.wait()

        def vote(t, _):
            gid = tilesel_v[pl.ds(t, LANES)][0]
            colbase = (gid - rowbase) * TILE
            for h in range(TILE // LANES):
                vals = gathered_v[t, pl.ds(h * LANES, LANES)]
                colv = colbase + (h * LANES) + lane
                m = vals >= thr_s
                w = jnp.exp((vals - rm_sc) * (1.0 / TEMP))
                labs = plsc.load_gather(labels_v, [colv])
                plsc.addupdate_scatter(scores_v, [labs], w, mask=m)
            return 0

        lax.fori_loop(0, cnt, vote, 0)

        def am(c, carry):
            bv, bi = carry
            v = scores_v[pl.ds(c * LANES, LANES)]
            idxv = c * LANES + lane
            m = v > bv
            return (jnp.where(m, v, bv), jnp.where(m, idxv, bi))

        bv, bi = lax.fori_loop(0, NCPAD // LANES, am,
                               (jnp.full((LANES,), -1.0, jnp.float32),
                                jnp.zeros((LANES,), jnp.int32)))
        mx = jnp.max(bv)
        pred = jnp.min(jnp.where(bv == mx, bi, jnp.int32(1 << 20)))
        plsc.store_scatter(preds_v, [jnp.full((LANES,), i, jnp.int32)],
                           jnp.full((LANES,), pred, jnp.int32),
                           mask=(lane == 0))
        return 0

    lax.fori_loop(0, rpw, row_body, 0)
    pltpu.make_async_copy(t32_hbm.at[base + rpw - 1],
                          t32row2_v.at[lax.rem(rpw, 2)], sem_t).wait()
    pltpu.sync_copy(preds_v, out_hbm.at[pl.ds(base, rpw)])


def _k4_body(pred_ref, lab_ref, out_ref):
    matches = (pred_ref[0, :] == lab_ref[0, :]).astype(jnp.float32)
    out_ref[...] = jnp.sum(matches).reshape(1, 1)


def kernel(features, labels, queue_features, queue_labels, train):
    b, d = features.shape
    k = queue_features.shape[0]
    rb = min(256, b)
    cb = 4096 if k % 4096 == 0 else k
    nt = k // TILE
    rpw = b // NW

    sims, t32 = pl.pallas_call(
        _k1_body,
        grid=(b // rb, k // cb),
        in_specs=[
            pl.BlockSpec((rb, d), lambda i, j: (i, 0)),
            pl.BlockSpec((cb, d), lambda i, j: (j, 0)),
        ],
        out_specs=[
            pl.BlockSpec((rb, cb), lambda i, j: (i, j)),
            pl.BlockSpec((rb, cb // TILE), lambda i, j: (i, j)),
        ],
        out_shape=[
            jax.ShapeDtypeStruct((b, k), jnp.float32),
            jax.ShapeDtypeStruct((b, nt), jnp.float32),
        ],
    )(features, queue_features)

    thr, rowmax = pl.pallas_call(
        _k2_body,
        grid=(b // rb,),
        in_specs=[pl.BlockSpec((rb, nt), lambda i: (i, 0))],
        out_specs=[
            pl.BlockSpec((rb, 1), lambda i: (i, 0)),
            pl.BlockSpec((rb, 1), lambda i: (i, 0)),
        ],
        out_shape=[
            jax.ShapeDtypeStruct((b, 1), jnp.float32),
            jax.ShapeDtypeStruct((b, 1), jnp.float32),
        ],
    )(t32)

    mesh = plsc.VectorSubcoreMesh(core_axis_name="c", subcore_axis_name="s",
                                  num_cores=2, num_subcores=16)
    preds = pl.kernel(
        _sc_body,
        out_type=jax.ShapeDtypeStruct((b,), jnp.int32),
        mesh=mesh,
        compiler_params=pltpu.CompilerParams(needs_layout_passes=False,
                                             use_tc_tiling_on_sc=False),
        scratch_types=[
            pltpu.VMEM((k,), jnp.int32),
            pltpu.VMEM((2, nt), jnp.float32),
            pltpu.VMEM((NTSEL + LANES,), jnp.int32),
            pltpu.VMEM((NTSEL,), jnp.int32),
            pltpu.VMEM((NTSEL, TILE), jnp.float32),
            pltpu.VMEM((rpw + LANES,), jnp.float32),
            pltpu.VMEM((rpw + LANES,), jnp.float32),
            pltpu.VMEM((NCPAD,), jnp.float32),
            pltpu.VMEM((rpw,), jnp.int32),
            pltpu.SemaphoreType.DMA,
            pltpu.SemaphoreType.DMA,
        ],
    )(sims.reshape(b * nt, TILE), t32, thr.reshape(b), rowmax.reshape(b),
      queue_labels)

    nsum = pl.pallas_call(
        _k4_body,
        in_specs=[
            pl.BlockSpec((1, b), lambda: (0, 0)),
            pl.BlockSpec((1, b), lambda: (0, 0)),
        ],
        out_specs=pl.BlockSpec((1, 1), lambda: (0, 0)),
        out_shape=jax.ShapeDtypeStruct((1, 1), jnp.float32),
    )(preds.reshape(1, b), labels.reshape(1, b))

    acc = nsum[0, 0] / b
    return acc * jnp.asarray(train, dtype=acc.dtype)

# --- scband reference (transcript-rebuilt; emitter-appended) ---
"""Pipeline reference for scband-online-knn-91156385890953 (READ-ONLY COPY).

The authoritative reference and input builder live on the scoring server;
editing this copy changes nothing except your own understanding.
"""

import jax, jax.numpy as jnp
import numpy as np

B = 1024
D = 256
K = 65536
NUM_KNNS = 200
NUM_CLASSES = 1000
TEMP = 0.07
EVAL_SAMPLING = 1.0


def setup_inputs(seed: int = 0) -> dict:
    key = jax.random.key(seed)
    k1, k2, k3, k4 = jax.random.split(key, 4)
    features = jax.random.normal(k1, (B, D), dtype=jnp.float32)
    labels = jax.random.randint(k2, (B,), 0, NUM_CLASSES, dtype=jnp.int32)
    # knn_vars: queue_features initialized L2-normalized (queue_features_init)
    qf = jax.random.normal(k3, (K, D), dtype=jnp.float32)
    qf = qf / jnp.sqrt(jnp.sum(qf ** 2, axis=-1, keepdims=True) + 1e-12)
    ql = jax.random.randint(k4, (K,), 0, NUM_CLASSES, dtype=jnp.int32)
    return {"features": features, "labels": labels, "queue_features": qf, "queue_labels": ql, "train": 1}


def reference(features, labels, queue_features, queue_labels, train=1):
    num_samples = int(EVAL_SAMPLING * features.shape[0])
    f = features[:num_samples]
    l = labels[:num_samples]
    # compute_knn_accuracy
    sim_matrix = jnp.einsum('nc,kc->nk', f, queue_features)
    sim_weight, sim_indices = jax.lax.top_k(sim_matrix, k=NUM_KNNS)
    sim_weight = jnp.exp(sim_weight / TEMP)
    sim_labels = queue_labels[sim_indices]  # gather, vmapped indexing
    one_hot_labels = jax.nn.one_hot(sim_labels, NUM_CLASSES, dtype=sim_weight.dtype, axis=-1)
    pred_scores = one_hot_labels * jnp.expand_dims(sim_weight, -1)
    pred_scores = jnp.sum(pred_scores, axis=1)
    pred_labels = jnp.argmax(pred_scores, axis=-1)
    accuracy = jnp.mean((pred_labels == l).astype(jnp.float32))
    accuracy = accuracy * jnp.asarray(train, dtype=accuracy.dtype)
    return accuracy

if __name__ == "__main__":
    import jax
    _d = setup_inputs()
    print(jax.jit(kernel)(*tuple(_d.values())))

</pallas_src>

<mosaic_0001>
#map = affine_map<(d0, d1) -> (0, 0)>
#map1 = affine_map<(d0, d1) -> (0)>
module attributes {stable_mosaic.version = 14 : i64} {
  func.func @_sc_body(%arg0: i32, %arg1: i32, %arg2: memref<2097152x32xf32, #tpu.memory_space<hbm>>, %arg3: memref<1024x2048xf32, #tpu.memory_space<hbm>>, %arg4: memref<1024xf32, #tpu.memory_space<hbm>>, %arg5: memref<1024xf32, #tpu.memory_space<hbm>>, %arg6: memref<65536xi32, #tpu.memory_space<hbm>>, %arg7: memref<1024xi32, #tpu.memory_space<hbm>>, %arg8: memref<65536xi32, #tpu.memory_space<vmem>>, %arg9: memref<2x2048xf32, #tpu.memory_space<vmem>>, %arg10: memref<272xi32, #tpu.memory_space<vmem>>, %arg11: memref<256xi32, #tpu.memory_space<vmem>>, %arg12: memref<256x32xf32, #tpu.memory_space<vmem>>, %arg13: memref<48xf32, #tpu.memory_space<vmem>>, %arg14: memref<48xf32, #tpu.memory_space<vmem>>, %arg15: memref<1024xf32, #tpu.memory_space<vmem>>, %arg16: memref<32xi32, #tpu.memory_space<vmem>>, %arg17: memref<!tpu.dma_semaphore, #tpu.memory_space<semaphore_mem>>, %arg18: memref<!tpu.dma_semaphore, #tpu.memory_space<semaphore_mem>>) attributes {dimension_semantics = [#tpu.dimension_semantics<core_parallel>, #tpu.dimension_semantics<subcore_parallel>], iteration_bounds = array<i64: 2, 16>, scalar_prefetch = 0 : i64, scratch_operands = 11 : i64, tpu.core_type = #tpu.core_type<sc_vector_subcore>, window_params = [{transform_indices = #map}, {transform_indices = #map}, {transform_indices = #map1}, {transform_indices = #map1}, {transform_indices = #map1}, {transform_indices = #map1}]} {
    %mul3A = arith.constant 2 : i32
    %mul3A_0 = arith.muli %arg1, %mul3A : i32
    %add3A = arith.addi %mul3A_0, %arg0 : i32
    %mul3A_1 = arith.constant 32 : i32
    %mul3A_2 = arith.muli %add3A, %mul3A_1 : i32
    %iota3A = tpu.iota {dimensions = array<i32: 0>} : vector<16xi32>
    "tpu.region"() ({
      %run_scoped3A = tpu.sem_alloc : memref<!tpu.dma_semaphore, #tpu.memory_space<semaphore_mem>>
      tpu.enqueue_dma source(%arg6 : memref<65536xi32, #tpu.memory_space<hbm>>) target(%arg8 : memref<65536xi32, #tpu.memory_space<vmem>>) target_semaphore(%run_scoped3A : memref<!tpu.dma_semaphore, #tpu.memory_space<semaphore_mem>>)
      tpu.wait_dma2 semaphore(%run_scoped3A : memref<!tpu.dma_semaphore, #tpu.memory_space<semaphore_mem>>) src(%arg6 : memref<65536xi32, #tpu.memory_space<hbm>>) dst(%arg8 : memref<65536xi32, #tpu.memory_space<vmem>>)
      tpu.yield
    }) : () -> ()
    "tpu.region"() ({
      %run_scoped3A = tpu.sem_alloc : memref<!tpu.dma_semaphore, #tpu.memory_space<semaphore_mem>>
      %dma_start3A_37 = arith.constant 0 : i32
      %dma_start3A_38 = tpu.memref_slice %arg13[%dma_start3A_37] : memref<48xf32, #tpu.memory_space<vmem>> -> memref<32xf32, #tpu.memory_space<vmem>>
      %dma_start3A_39 = tpu.memref_slice %arg4[%mul3A_2] : memref<1024xf32, #tpu.memory_space<hbm>> -> memref<32xf32, #tpu.memory_space<hbm>>
      %dma_start3A_40 = arith.constant 0 : i32
      %dma_start3A_41 = tpu.memref_slice %arg13[%dma_start3A_40] : memref<48xf32, #tpu.memory_space<vmem>> -> memref<32xf32, #tpu.memory_space<vmem>>
      %dma_start3A_42 = tpu.memref_slice %arg4[%mul3A_2] : memref<1024xf32, #tpu.memory_space<hbm>> -> memref<32xf32, #tpu.memory_space<hbm>>
      tpu.enqueue_dma source(%dma_start3A_42 : memref<32xf32, #tpu.memory_space<hbm>>) target(%dma_start3A_41 : memref<32xf32, #tpu.memory_space<vmem>>) target_semaphore(%run_scoped3A : memref<!tpu.dma_semaphore, #tpu.memory_space<semaphore_mem>>)
      %dma_wait3A_43 = arith.constant 0 : i32
      %dma_wait3A_44 = tpu.memref_slice %arg13[%dma_wait3A_43] : memref<48xf32, #tpu.memory_space<vmem>> -> memref<32xf32, #tpu.memory_space<vmem>>
      %dma_wait3A_45 = tpu.memref_slice %arg4[%mul3A_2] : memref<1024xf32, #tpu.memory_space<hbm>> -> memref<32xf32, #tpu.memory_space<hbm>>
      %dma_wait3A_46 = arith.constant 0 : i32
      %dma_wait3A_47 = tpu.memref_slice %arg13[%dma_wait3A_46] : memref<48xf32, #tpu.memory_space<vmem>> -> memref<32xf32, #tpu.memory_space<vmem>>
      %dma_wait3A_48 = tpu.memref_slice %arg4[%mul3A_2] : memref<1024xf32, #tpu.memory_space<hbm>> -> memref<32xf32, #tpu.memory_space<hbm>>
      tpu.wait_dma2 semaphore(%run_scoped3A : memref<!tpu.dma_semaphore, #tpu.memory_space<semaphore_mem>>) src(%dma_wait3A_48 : memref<32xf32, #tpu.memory_space<hbm>>) dst(%dma_wait3A_47 : memref<32xf32, #tpu.memory_space<vmem>>)
      tpu.yield
    }) : () -> ()
    "tpu.region"() ({
      %run_scoped3A = tpu.sem_alloc : memref<!tpu.dma_semaphore, #tpu.memory_space<semaphore_mem>>
      %dma_start3A_37 = arith.constant 0 : i32
      %dma_start3A_38 = tpu.memref_slice %arg14[%dma_start3A_37] : memref<48xf32, #tpu.memory_space<vmem>> -> memref<32xf32, #tpu.memory_space<vmem>>
      %dma_start3A_39 = tpu.memref_slice %arg5[%mul3A_2] : memref<1024xf32, #tpu.memory_space<hbm>> -> memref<32xf32, #tpu.memory_space<hbm>>
      %dma_start3A_40 = arith.constant 0 : i32
      %dma_start3A_41 = tpu.memref_slice %arg14[%dma_start3A_40] : memref<48xf32, #tpu.memory_space<vmem>> -> memref<32xf32, #tpu.memory_space<vmem>>
      %dma_start3A_42 = tpu.memref_slice %arg5[%mul3A_2] : memref<1024xf32, #tpu.memory_space<hbm>> -> memref<32xf32, #tpu.memory_space<hbm>>
      tpu.enqueue_dma source(%dma_start3A_42 : memref<32xf32, #tpu.memory_space<hbm>>) target(%dma_start3A_41 : memref<32xf32, #tpu.memory_space<vmem>>) target_semaphore(%run_scoped3A : memref<!tpu.dma_semaphore, #tpu.memory_space<semaphore_mem>>)
      %dma_wait3A_43 = arith.constant 0 : i32
      %dma_wait3A_44 = tpu.memref_slice %arg14[%dma_wait3A_43] : memref<48xf32, #tpu.memory_space<vmem>> -> memref<32xf32, #tpu.memory_space<vmem>>
      %dma_wait3A_45 = tpu.memref_slice %arg5[%mul3A_2] : memref<1024xf32, #tpu.memory_space<hbm>> -> memref<32xf32, #tpu.memory_space<hbm>>
      %dma_wait3A_46 = arith.constant 0 : i32
      %dma_wait3A_47 = tpu.memref_slice %arg14[%dma_wait3A_46] : memref<48xf32, #tpu.memory_space<vmem>> -> memref<32xf32, #tpu.memory_space<vmem>>
      %dma_wait3A_48 = tpu.memref_slice %arg5[%mul3A_2] : memref<1024xf32, #tpu.memory_space<hbm>> -> memref<32xf32, #tpu.memory_space<hbm>>
      tpu.wait_dma2 semaphore(%run_scoped3A : memref<!tpu.dma_semaphore, #tpu.memory_space<semaphore_mem>>) src(%dma_wait3A_48 : memref<32xf32, #tpu.memory_space<hbm>>) dst(%dma_wait3A_47 : memref<32xf32, #tpu.memory_space<vmem>>)
      tpu.yield
    }) : () -> ()
    %dma_start3A = arith.constant 0 : i32
    %dma_start3A_3 = arith.constant 0 : i32
    %dma_start3A_4 = tpu.memref_slice %arg9[%dma_start3A, %dma_start3A_3] : memref<2x2048xf32, #tpu.memory_space<vmem>> -> memref<1x2048xf32, #tpu.memory_space<vmem>>
    %dma_start3A_5 = tpu.memref_squeeze %dma_start3A_4 : memref<1x2048xf32, #tpu.memory_space<vmem>> -> memref<2048xf32, #tpu.memory_space<vmem>>
    %dma_start3A_6 = arith.constant 0 : i32
    %dma_start3A_7 = tpu.memref_slice %arg3[%mul3A_2, %dma_start3A_6] : memref<1024x2048xf32, #tpu.memory_space<hbm>> -> memref<1x2048xf32, #tpu.memory_space<hbm>>
    %dma_start3A_8 = tpu.memref_squeeze %dma_start3A_7 : memref<1x2048xf32, #tpu.memory_space<hbm>> -> memref<2048xf32, #tpu.memory_space<hbm>>
    %dma_start3A_9 = arith.constant 0 : i32
    %dma_start3A_10 = tpu.memref_slice %arg9[%dma_start3A, %dma_start3A_9] : memref<2x2048xf32, #tpu.memory_space<vmem>> -> memref<1x2048xf32, #tpu.memory_space<vmem>>
    %dma_start3A_11 = tpu.memref_squeeze %dma_start3A_10 : memref<1x2048xf32, #tpu.memory_space<vmem>> -> memref<2048xf32, #tpu.memory_space<vmem>>
    %dma_start3A_12 = arith.constant 0 : i32
    %dma_start3A_13 = tpu.memref_slice %arg3[%mul3A_2, %dma_start3A_12] : memref<1024x2048xf32, #tpu.memory_space<hbm>> -> memref<1x2048xf32, #tpu.memory_space<hbm>>
    %dma_start3A_14 = tpu.memref_squeeze %dma_start3A_13 : memref<1x2048xf32, #tpu.memory_space<hbm>> -> memref<2048xf32, #tpu.memory_space<hbm>>
    tpu.enqueue_dma source(%dma_start3A_14 : memref<2048xf32, #tpu.memory_space<hbm>>) target(%dma_start3A_11 : memref<2048xf32, #tpu.memory_space<vmem>>) target_semaphore(%arg17 : memref<!tpu.dma_semaphore, #tpu.memory_space<semaphore_mem>>)
    %scan3A = arith.constant 0 : i32
    %scan3A_15 = arith.constant 0 : i32
    %scan3A_16 = arith.constant 32 : i32
    %scan3A_17 = arith.addi %scan3A_15, %scan3A_16 : i32
    %scan3A_18 = arith.constant 1 : i32
    %scan3A_19 = scf.for %scan3A_37 = %scan3A_15 to %scan3A_17 step %scan3A_18 iter_args(%scan3A_38 = %scan3A) -> (i32)  : i32 {
      %add3A_39 = arith.addi %mul3A_2, %scan3A_37 : i32
      %rem3A_40 = arith.constant 2 : i32
      %rem3A_41 = arith.remsi %scan3A_37, %rem3A_40 : i32
      %get3A = arith.index_cast %scan3A_37 : i32 to index
      %get3A_42 = tpu.vector_load %arg13[%get3A] {strides = array<i32>} : memref<48xf32, #tpu.memory_space<vmem>>, vector<16xf32>,
      %slice3A = vector.extract_strided_slice %get3A_42 {offsets = [0], sizes = [1], strides = [1]} : vector<16xf32> to vector<1xf32>
      %squeeze3A = vector.extract %slice3A[0] : f32 from vector<1xf32>
      %get3A_43 = arith.index_cast %scan3A_37 : i32 to index
      %get3A_44 = tpu.vector_load %arg14[%get3A_43] {strides = array<i32>} : memref<48xf32, #tpu.memory_space<vmem>>, vector<16xf32>,
      %slice3A_45 = vector.extract_strided_slice %get3A_44 {offsets = [0], sizes = [1], strides = [1]} : vector<16xf32> to vector<1xf32>
      %squeeze3A_46 = vector.extract %slice3A_45[0] : f32 from vector<1xf32>
      %broadcast_in_dim3A = vector.broadcast %squeeze3A : f32 to vector<16xf32>
      %mul3A_47 = arith.constant 2048 : i32
      %mul3A_48 = arith.muli %add3A_39, %mul3A_47 : i32
      %dma_wait3A_49 = arith.constant 0 : i32
      %dma_wait3A_50 = tpu.memref_slice %arg9[%rem3A_41, %dma_wait3A_49] : memref<2x2048xf32, #tpu.memory_space<vmem>> -> memref<1x2048xf32, #tpu.memory_space<vmem>>
      %dma_wait3A_51 = tpu.memref_squeeze %dma_wait3A_50 : memref<1x2048xf32, #tpu.memory_space<vmem>> -> memref<2048xf32, #tpu.memory_space<vmem>>
      %dma_wait3A_52 = arith.constant 0 : i32
      %dma_wait3A_53 = tpu.memref_slice %arg3[%add3A_39, %dma_wait3A_52] : memref<1024x2048xf32, #tpu.memory_space<hbm>> -> memref<1x2048xf32, #tpu.memory_space<hbm>>
      %dma_wait3A_54 = tpu.memref_squeeze %dma_wait3A_53 : memref<1x2048xf32, #tpu.memory_space<hbm>> -> memref<2048xf32, #tpu.memory_space<hbm>>
      %dma_wait3A_55 = arith.constant 0 : i32
      %dma_wait3A_56 = tpu.memref_slice %arg9[%rem3A_41, %dma_wait3A_55] : memref<2x2048xf32, #tpu.memory_space<vmem>> -> memref<1x2048xf32, #tpu.memory_space<vmem>>
      %dma_wait3A_57 = tpu.memref_squeeze %dma_wait3A_56 : memref<1x2048xf32, #tpu.memory_space<vmem>> -> memref<2048xf32, #tpu.memory_space<vmem>>
      %dma_wait3A_58 = arith.constant 0 : i32
      %dma_wait3A_59 = tpu.memref_slice %arg3[%add3A_39, %dma_wait3A_58] : memref<1024x2048xf32, #tpu.memory_space<hbm>> -> memref<1x2048xf32, #tpu.memory_space<hbm>>
      %dma_wait3A_60 = tpu.memref_squeeze %dma_wait3A_59 : memref<1x2048xf32, #tpu.memory_space<hbm>> -> memref<2048xf32, #tpu.memory_space<hbm>>
      tpu.wait_dma2 semaphore(%arg17 : memref<!tpu.dma_semaphore, #tpu.memory_space<semaphore_mem>>) src(%dma_wait3A_60 : memref<2048xf32, #tpu.memory_space<hbm>>) dst(%dma_wait3A_57 : memref<2048xf32, #tpu.memory_space<vmem>>)
      %scan3A_61 = arith.constant 0 : i32
      %scan3A_62 = arith.constant 0 : i32
      %scan3A_63 = arith.constant 16 : i32
      %scan3A_64 = arith.addi %scan3A_62, %scan3A_63 : i32
      %scan3A_65 = arith.constant 1 : i32
      %scan3A_66 = scf.for %scan3A_426 = %scan3A_62 to %scan3A_64 step %scan3A_65 iter_args(%scan3A_427 = %scan3A_61) -> (i32)  : i32 {
        %mul3A_428 = arith.constant 8 : i32
        %mul3A_429 = arith.muli %scan3A_426, %mul3A_428 : i32
        %add3A_430 = arith.constant 0 : i32
        %add3A_431 = arith.addi %mul3A_429, %add3A_430 : i32
        %mul3A_432 = arith.constant 16 : i32
        %mul3A_433 = arith.muli %add3A_431, %mul3A_432 : i32
        %get3A_434 = arith.index_cast %rem3A_41 : i32 to index
        %get3A_435 = arith.index_cast %mul3A_433 : i32 to index
        %get3A_436 = tpu.vector_load %arg9[%get3A_434, %get3A_435] {strides = array<i32>} : memref<2x2048xf32, #tpu.memory_space<vmem>>, vector<16xf32>,
        %ge3A = arith.cmpf oge, %get3A_436, %broadcast_in_dim3A : vector<16xf32>
        %lt3A = arith.constant 240 : i32
        %lt3A_437 = arith.cmpi slt, %scan3A_427, %lt3A : i32
        %and3A_438 = vector.broadcast %lt3A_437 : i1 to vector<16xi1>
        %and3A_439 = arith.andi %ge3A, %and3A_438 : vector<16xi1>
        %mul3A_440 = arith.constant 16 : i32
        %mul3A_441 = arith.muli %add3A_431, %mul3A_440 : i32
        %add3A_442 = arith.addi %mul3A_48, %mul3A_441 : i32
        %add3A_443 = vector.broadcast %add3A_442 : i32 to vector<16xi32>
        %add3A_444 = arith.addi %add3A_443, %iota3A : vector<16xi32>
        %min3A_445 = arith.constant 240 : i32
        %min3A_446 = arith.minsi %scan3A_427, %min3A_445 : i32
        %swap3A_447 = arith.index_cast %min3A_446 : i32 to index
        %swap3A_448 = tpu.vector_load %arg10[%swap3A_447] masked %and3A_439 {strides = array<i32>} : memref<272xi32, #tpu.memory_space<vmem>>, vector<16xi32>, vector<16xi1>
        tpu.vector_store %arg10[%swap3A_447], %add3A_444 masked %and3A_439 {strides = array<i32>} : memref<272xi32, #tpu.memory_space<vmem>>, vector<16xi32>, vector<16xi1>
        %swap3A_449 = arith.index_cast %min3A_446 : i32 to index
        %swap3A_450 = tpu.vector_load %arg11[%swap3A_449] masked %and3A_439 {strides = array<i32>} : memref<256xi32, #tpu.memory_space<vmem>>, vector<16xi32>, vector<16xi1>
        tpu.vector_store %arg11[%swap3A_449], %add3A_444 masked %and3A_439 {strides = array<i32>} : memref<256xi32, #tpu.memory_space<vmem>>, vector<16xi32>, vector<16xi1>
        %convert_element_type3A = arith.extui %and3A_439 : vector<16xi1> to vector<16xi32>
        %reduce_sum3A = arith.constant true
        %reduce_sum3A_451 = vector.broadcast %reduce_sum3A : i1 to vector<16xi1>
        %reduce_sum3A_452 = tpu.scan <sum>, %convert_element_type3A masked %reduce_sum3A_451 : vector<16xi32>, vector<16xi1> -> vector<16xi32>
        %reduce_sum3A_453 = vector.extract %reduce_sum3A_452[15] : i32 from vector<16xi32>
        %add3A_454 = arith.addi %scan3A_427, %reduce_sum3A_453 : i32
        %mul3A_455 = arith.constant 8 : i32
        %mul3A_456 = arith.muli %scan3A_426, %mul3A_455 : i32
        %add3A_457 = arith.constant 1 : i32
        %add3A_458 = arith.addi %mul3A_456, %add3A_457 : i32
        %mul3A_459 = arith.constant 16 : i32
        %mul3A_460 = arith.muli %add3A_458, %mul3A_459 : i32
        %get3A_461 = arith.index_cast %rem3A_41 : i32 to index
        %get3A_462 = arith.index_cast %mul3A_460 : i32 to index
        %get3A_463 = tpu.vector_load %arg9[%get3A_461, %get3A_462] {strides = array<i32>} : memref<2x2048xf32, #tpu.memory_space<vmem>>, vector<16xf32>,
        %ge3A_464 = arith.cmpf oge, %get3A_463, %broadcast_in_dim3A : vector<16xf32>
        %lt3A_465 = arith.constant 240 : i32
        %lt3A_466 = arith.cmpi slt, %add3A_454, %lt3A_465 : i32
        %and3A_467 = vector.broadcast %lt3A_466 : i1 to vector<16xi1>
        %and3A_468 = arith.andi %ge3A_464, %and3A_467 : vector<16xi1>
        %mul3A_469 = arith.constant 16 : i32
        %mul3A_470 = arith.muli %add3A_458, %mul3A_469 : i32
        %add3A_471 = arith.addi %mul3A_48, %mul3A_470 : i32
        %add3A_472 = vector.broadcast %add3A_471 : i32 to vector<16xi32>
        %add3A_473 = arith.addi %add3A_472, %iota3A : vector<16xi32>
        %min3A_474 = arith.constant 240 : i32
        %min3A_475 = arith.minsi %add3A_454, %min3A_474 : i32
        %swap3A_476 = arith.index_cast %min3A_475 : i32 to index
        %swap3A_477 = tpu.vector_load %arg10[%swap3A_476] masked %and3A_468 {strides = array<i32>} : memref<272xi32, #tpu.memory_space<vmem>>, vector<16xi32>, vector<16xi1>
        tpu.vector_store %arg10[%swap3A_476], %add3A_473 masked %and3A_468 {strides = array<i32>} : memref<272xi32, #tpu.memory_space<vmem>>, vector<16xi32>, vector<16xi1>
        %swap3A_478 = arith.index_cast %min3A_475 : i32 to index
        %swap3A_479 = tpu.vector_load %arg11[%swap3A_478] masked %and3A_468 {strides = array<i32>} : memref<256xi32, #tpu.memory_space<vmem>>, vector<16xi32>, vector<16xi1>
        tpu.vector_store %arg11[%swap3A_478], %add3A_473 masked %and3A_468 {strides = array<i32>} : memref<256xi32, #tpu.memory_space<vmem>>, vector<16xi32>, vector<16xi1>
        %convert_element_type3A_480 = arith.extui %and3A_468 : vector<16xi1> to vector<16xi32>
        %reduce_sum3A_481 = arith.constant true
        %reduce_sum3A_482 = vector.broadcast %reduce_sum3A_481 : i1 to vector<16xi1>
        %reduce_sum3A_483 = tpu.scan <sum>, %convert_element_type3A_480 masked %reduce_sum3A_482 : vector<16xi32>, vector<16xi1> -> vector<16xi32>
        %reduce_sum3A_484 = vector.extract %reduce_sum3A_483[15] : i32 from vector<16xi32>
        %add3A_485 = arith.addi %add3A_454, %reduce_sum3A_484 : i32
        %mul3A_486 = arith.constant 8 : i32
        %mul3A_487 = arith.muli %scan3A_426, %mul3A_486 : i32
        %add3A_488 = arith.constant 2 : i32
        %add3A_489 = arith.addi %mul3A_487, %add3A_488 : i32
        %mul3A_490 = arith.constant 16 : i32
        %mul3A_491 = arith.muli %add3A_489, %mul3A_490 : i32
        %get3A_492 = arith.index_cast %rem3A_41 : i32 to index
        %get3A_493 = arith.index_cast %mul3A_491 : i32 to index
        %get3A_494 = tpu.vector_load %arg9[%get3A_492, %get3A_493] {strides = array<i32>} : memref<2x2048xf32, #tpu.memory_space<vmem>>, vector<16xf32>,
        %ge3A_495 = arith.cmpf oge, %get3A_494, %broadcast_in_dim3A : vector<16xf32>
        %lt3A_496 = arith.constant 240 : i32
        %lt3A_497 = arith.cmpi slt, %add3A_485, %lt3A_496 : i32
        %and3A_498 = vector.broadcast %lt3A_497 : i1 to vector<16xi1>
        %and3A_499 = arith.andi %ge3A_495, %and3A_498 : vector<16xi1>
        %mul3A_500 = arith.constant 16 : i32
        %mul3A_501 = arith.muli %add3A_489, %mul3A_500 : i32
        %add3A_502 = arith.addi %mul3A_48, %mul3A_501 : i32
        %add3A_503 = vector.broadcast %add3A_502 : i32 to vector<16xi32>
        %add3A_504 = arith.addi %add3A_503, %iota3A : vector<16xi32>
        %min3A_505 = arith.constant 240 : i32
        %min3A_506 = arith.minsi %add3A_485, %min3A_505 : i32
        %swap3A_507 = arith.index_cast %min3A_506 : i32 to index
        %swap3A_508 = tpu.vector_load %arg10[%swap3A_507] masked %and3A_499 {strides = array<i32>} : memref<272xi32, #tpu.memory_space<vmem>>, vector<16xi32>, vector<16xi1>
        tpu.vector_store %arg10[%swap3A_507], %add3A_504 masked %and3A_499 {strides = array<i32>} : memref<272xi32, #tpu.memory_space<vmem>>, vector<16xi32>, vector<16xi1>
        %swap3A_509 = arith.index_cast %min3A_506 : i32 to index
        %swap3A_510 = tpu.vector_load %arg11[%swap3A_509] masked %and3A_499 {strides = array<i32>} : memref<256xi32, #tpu.memory_space<vmem>>, vector<16xi32>, vector<16xi1>
        tpu.vector_store %arg11[%swap3A_509], %add3A_504 masked %and3A_499 {strides = array<i32>} : memref<256xi32, #tpu.memory_space<vmem>>, vector<16xi32>, vector<16xi1>
        %convert_element_type3A_511 = arith.extui %and3A_499 : vector<16xi1> to vector<16xi32>
        %reduce_sum3A_512 = arith.constant true
        %reduce_sum3A_513 = vector.broadcast %reduce_sum3A_512 : i1 to vector<16xi1>
        %reduce_sum3A_514 = tpu.scan <sum>, %convert_element_type3A_511 masked %reduce_sum3A_513 : vector<16xi32>, vector<16xi1> -> vector<16xi32>
        %reduce_sum3A_515 = vector.extract %reduce_sum3A_514[15] : i32 from vector<16xi32>
        %add3A_516 = arith.addi %add3A_485, %reduce_sum3A_515 : i32
        %mul3A_517 = arith.constant 8 : i32
        %mul3A_518 = arith.muli %scan3A_426, %mul3A_517 : i32
        %add3A_519 = arith.constant 3 : i32
        %add3A_520 = arith.addi %mul3A_518, %add3A_519 : i32
        %mul3A_521 = arith.constant 16 : i32
        %mul3A_522 = arith.muli %add3A_520, %mul3A_521 : i32
        %get3A_523 = arith.index_cast %rem3A_41 : i32 to index
        %get3A_524 = arith.index_cast %mul3A_522 : i32 to index
        %get3A_525 = tpu.vector_load %arg9[%get3A_523, %get3A_524] {strides = array<i32>} : memref<2x2048xf32, #tpu.memory_space<vmem>>, vector<16xf32>,
        %ge3A_526 = arith.cmpf oge, %get3A_525, %broadcast_in_dim3A : vector<16xf32>
        %lt3A_527 = arith.constant 240 : i32
        %lt3A_528 = arith.cmpi slt, %add3A_516, %lt3A_527 : i32
        %and3A_529 = vector.broadcast %lt3A_528 : i1 to vector<16xi1>
        %and3A_530 = arith.andi %ge3A_526, %and3A_529 : vector<16xi1>
        %mul3A_531 = arith.constant 16 : i32
        %mul3A_532 = arith.muli %add3A_520, %mul3A_531 : i32
        %add3A_533 = arith.addi %mul3A_48, %mul3A_532 : i32
        %add3A_534 = vector.broadcast %add3A_533 : i32 to vector<16xi32>
        %add3A_535 = arith.addi %add3A_534, %iota3A : vector<16xi32>
        %min3A_536 = arith.constant 240 : i32
        %min3A_537 = arith.minsi %add3A_516, %min3A_536 : i32
        %swap3A_538 = arith.index_cast %min3A_537 : i32 to index
        %swap3A_539 = tpu.vector_load %arg10[%swap3A_538] masked %and3A_530 {strides = array<i32>} : memref<272xi32, #tpu.memory_space<vmem>>, vector<16xi32>, vector<16xi1>
        tpu.vector_store %arg10[%swap3A_538], %add3A_535 masked %and3A_530 {strides = array<i32>} : memref<272xi32, #tpu.memory_space<vmem>>, vector<16xi32>, vector<16xi1>
        %swap3A_540 = arith.index_cast %min3A_537 : i32 to index
        %swap3A_541 = tpu.vector_load %arg11[%swap3A_540] masked %and3A_530 {strides = array<i32>} : memref<256xi32, #tpu.memory_space<vmem>>, vector<16xi32>, vector<16xi1>
        tpu.vector_store %arg11[%swap3A_540], %add3A_535 masked %and3A_530 {strides = array<i32>} : memref<256xi32, #tpu.memory_space<vmem>>, vector<16xi32>, vector<16xi1>
        %convert_element_type3A_542 = arith.extui %and3A_530 : vector<16xi1> to vector<16xi32>
        %reduce_sum3A_543 = arith.constant true
        %reduce_sum3A_544 = vector.broadcast %reduce_sum3A_543 : i1 to vector<16xi1>
        %reduce_sum3A_545 = tpu.scan <sum>, %convert_element_type3A_542 masked %reduce_sum3A_544 : vector<16xi32>, vector<16xi1> -> vector<16xi32>
        %reduce_sum3A_546 = vector.extract %reduce_sum3A_545[15] : i32 from vector<16xi32>
        %add3A_547 = arith.addi %add3A_516, %reduce_sum3A_546 : i32
        %mul3A_548 = arith.constant 8 : i32
        %mul3A_549 = arith.muli %scan3A_426, %mul3A_548 : i32
        %add3A_550 = arith.constant 4 : i32
        %add3A_551 = arith.addi %mul3A_549, %add3A_550 : i32
        %mul3A_552 = arith.constant 16 : i32
        %mul3A_553 = arith.muli %add3A_551, %mul3A_552 : i32
        %get3A_554 = arith.index_cast %rem3A_41 : i32 to index
        %get3A_555 = arith.index_cast %mul3A_553 : i32 to index
        %get3A_556 = tpu.vector_load %arg9[%get3A_554, %get3A_555] {strides = array<i32>} : memref<2x2048xf32, #tpu.memory_space<vmem>>, vector<16xf32>,
        %ge3A_557 = arith.cmpf oge, %get3A_556, %broadcast_in_dim3A : vector<16xf32>
        %lt3A_558 = arith.constant 240 : i32
        %lt3A_559 = arith.cmpi slt, %add3A_547, %lt3A_558 : i32
        %and3A_560 = vector.broadcast %lt3A_559 : i1 to vector<16xi1>
        %and3A_561 = arith.andi %ge3A_557, %and3A_560 : vector<16xi1>
        %mul3A_562 = arith.constant 16 : i32
        %mul3A_563 = arith.muli %add3A_551, %mul3A_562 : i32
        %add3A_564 = arith.addi %mul3A_48, %mul3A_563 : i32
        %add3A_565 = vector.broadcast %add3A_564 : i32 to vector<16xi32>
        %add3A_566 = arith.addi %add3A_565, %iota3A : vector<16xi32>
        %min3A_567 = arith.constant 240 : i32
        %min3A_568 = arith.minsi %add3A_547, %min3A_567 : i32
        %swap3A_569 = arith.index_cast %min3A_568 : i32 to index
        %swap3A_570 = tpu.vector_load %arg10[%swap3A_569] masked %and3A_561 {strides = array<i32>} : memref<272xi32, #tpu.memory_space<vmem>>, vector<16xi32>, vector<16xi1>
        tpu.vector_store %arg10[%swap3A_569], %add3A_566 masked %and3A_561 {strides = array<i32>} : memref<272xi32, #tpu.memory_space<vmem>>, vector<16xi32>, vector<16xi1>
        %swap3A_571 = arith.index_cast %min3A_568 : i32 to index
        %swap3A_572 = tpu.vector_load %arg11[%swap3A_571] masked %and3A_561 {strides = array<i32>} : memref<256xi32, #tpu.memory_space<vmem>>, vector<16xi32>, vector<16xi1>
        tpu.vector_store %arg11[%swap3A_571], %add3A_566 masked %and3A_561 {strides = array<i32>} : memref<256xi32, #tpu.memory_space<vmem>>, vector<16xi32>, vector<16xi1>
        %convert_element_type3A_573 = arith.extui %and3A_561 : vector<16xi1> to vector<16xi32>
        %reduce_sum3A_574 = arith.constant true
        %reduce_sum3A_575 = vector.broadcast %reduce_sum3A_574 : i1 to vector<16xi1>
        %reduce_sum3A_576 = tpu.scan <sum>, %convert_element_type3A_573 masked %reduce_sum3A_575 : vector<16xi32>, vector<16xi1> -> vector<16xi32>
        %reduce_sum3A_577 = vector.extract %reduce_sum3A_576[15] : i32 from vector<16xi32>
        %add3A_578 = arith.addi %add3A_547, %reduce_sum3A_577 : i32
        %mul3A_579 = arith.constant 8 : i32
        %mul3A_580 = arith.muli %scan3A_426, %mul3A_579 : i32
        %add3A_581 = arith.constant 5 : i32
        %add3A_582 = arith.addi %mul3A_580, %add3A_581 : i32
        %mul3A_583 = arith.constant 16 : i32
        %mul3A_584 = arith.muli %add3A_582, %mul3A_583 : i32
        %get3A_585 = arith.index_cast %rem3A_41 : i32 to index
        %get3A_586 = arith.index_cast %mul3A_584 : i32 to index
        %get3A_587 = tpu.vector_load %arg9[%get3A_585, %get3A_586] {strides = array<i32>} : memref<2x2048xf32, #tpu.memory_space<vmem>>, vector<16xf32>,
        %ge3A_588 = arith.cmpf oge, %get3A_587, %broadcast_in_dim3A : vector<16xf32>
        %lt3A_589 = arith.constant 240 : i32
        %lt3A_590 = arith.cmpi slt, %add3A_578, %lt3A_589 : i32
        %and3A_591 = vector.broadcast %lt3A_590 : i1 to vector<16xi1>
        %and3A_592 = arith.andi %ge3A_588, %and3A_591 : vector<16xi1>
        %mul3A_593 = arith.constant 16 : i32
        %mul3A_594 = arith.muli %add3A_582, %mul3A_593 : i32
        %add3A_595 = arith.addi %mul3A_48, %mul3A_594 : i32
        %add3A_596 = vector.broadcast %add3A_595 : i32 to vector<16xi32>
        %add3A_597 = arith.addi %add3A_596, %iota3A : vector<16xi32>
        %min3A_598 = arith.constant 240 : i32
        %min3A_599 = arith.minsi %add3A_578, %min3A_598 : i32
        %swap3A_600 = arith.index_cast %min3A_599 : i32 to index
        %swap3A_601 = tpu.vector_load %arg10[%swap3A_600] masked %and3A_592 {strides = array<i32>} : memref<272xi32, #tpu.memory_space<vmem>>, vector<16xi32>, vector<16xi1>
        tpu.vector_store %arg10[%swap3A_600], %add3A_597 masked %and3A_592 {strides = array<i32>} : memref<272xi32, #tpu.memory_space<vmem>>, vector<16xi32>, vector<16xi1>
        %swap3A_602 = arith.index_cast %min3A_599 : i32 to index
        %swap3A_603 = tpu.vector_load %arg11[%swap3A_602] masked %and3A_592 {strides = array<i32>} : memref<256xi32, #tpu.memory_space<vmem>>, vector<16xi32>, vector<16xi1>
        tpu.vector_store %arg11[%swap3A_602], %add3A_597 masked %and3A_592 {strides = array<i32>} : memref<256xi32, #tpu.memory_space<vmem>>, vector<16xi32>, vector<16xi1>
        %convert_element_type3A_604 = arith.extui %and3A_592 : vector<16xi1> to vector<16xi32>
        %reduce_sum3A_605 = arith.constant true
        %reduce_sum3A_606 = vector.broadcast %reduce_sum3A_605 : i1 to vector<16xi1>
        %reduce_sum3A_607 = tpu.scan <sum>, %convert_element_type3A_604 masked %reduce_sum3A_606 : vector<16xi32>, vector<16xi1> -> vector<16xi32>
        %reduce_sum3A_608 = vector.extract %reduce_sum3A_607[15] : i32 from vector<16xi32>
        %add3A_609 = arith.addi %add3A_578, %reduce_sum3A_608 : i32
        %mul3A_610 = arith.constant 8 : i32
        %mul3A_611 = arith.muli %scan3A_426, %mul3A_610 : i32
        %add3A_612 = arith.constant 6 : i32
        %add3A_613 = arith.addi %mul3A_611, %add3A_612 : i32
        %mul3A_614 = arith.constant 16 : i32
        %mul3A_615 = arith.muli %add3A_613, %mul3A_614 : i32
        %get3A_616 = arith.index_cast %rem3A_41 : i32 to index
        %get3A_617 = arith.index_cast %mul3A_615 : i32 to index
        %get3A_618 = tpu.vector_load %arg9[%get3A_616, %get3A_617] {strides = array<i32>} : memref<2x2048xf32, #tpu.memory_space<vmem>>, vector<16xf32>,
        %ge3A_619 = arith.cmpf oge, %get3A_618, %broadcast_in_dim3A : vector<16xf32>
        %lt3A_620 = arith.constant 240 : i32
        %lt3A_621 = arith.cmpi slt, %add3A_609, %lt3A_620 : i32
        %and3A_622 = vector.broadcast %lt3A_621 : i1 to vector<16xi1>
        %and3A_623 = arith.andi %ge3A_619, %and3A_622 : vector<16xi1>
        %mul3A_624 = arith.constant 16 : i32
        %mul3A_625 = arith.muli %add3A_613, %mul3A_624 : i32
        %add3A_626 = arith.addi %mul3A_48, %mul3A_625 : i32
        %add3A_627 = vector.broadcast %add3A_626 : i32 to vector<16xi32>
        %add3A_628 = arith.addi %add3A_627, %iota3A : vector<16xi32>
        %min3A_629 = arith.constant 240 : i32
        %min3A_630 = arith.minsi %add3A_609, %min3A_629 : i32
        %swap3A_631 = arith.index_cast %min3A_630 : i32 to index
        %swap3A_632 = tpu.vector_load %arg10[%swap3A_631] masked %and3A_623 {strides = array<i32>} : memref<272xi32, #tpu.memory_space<vmem>>, vector<16xi32>, vector<16xi1>
        tpu.vector_store %arg10[%swap3A_631], %add3A_628 masked %and3A_623 {strides = array<i32>} : memref<272xi32, #tpu.memory_space<vmem>>, vector<16xi32>, vector<16xi1>
        %swap3A_633 = arith.index_cast %min3A_630 : i32 to index
        %swap3A_634 = tpu.vector_load %arg11[%swap3A_633] masked %and3A_623 {strides = array<i32>} : memref<256xi32, #tpu.memory_space<vmem>>, vector<16xi32>, vector<16xi1>
        tpu.vector_store %arg11[%swap3A_633], %add3A_628 masked %and3A_623 {strides = array<i32>} : memref<256xi32, #tpu.memory_space<vmem>>, vector<16xi32>, vector<16xi1>
        %convert_element_type3A_635 = arith.extui %and3A_623 : vector<16xi1> to vector<16xi32>
        %reduce_sum3A_636 = arith.constant true
        %reduce_sum3A_637 = vector.broadcast %reduce_sum3A_636 : i1 to vector<16xi1>
        %reduce_sum3A_638 = tpu.scan <sum>, %convert_element_type3A_635 masked %reduce_sum3A_637 : vector<16xi32>, vector<16xi1> -> vector<16xi32>
        %reduce_sum3A_639 = vector.extract %reduce_sum3A_638[15] : i32 from vector<16xi32>
        %add3A_640 = arith.addi %add3A_609, %reduce_sum3A_639 : i32
        %mul3A_641 = arith.constant 8 : i32
        %mul3A_642 = arith.muli %scan3A_426, %mul3A_641 : i32
        %add3A_643 = arith.constant 7 : i32
        %add3A_644 = arith.addi %mul3A_642, %add3A_643 : i32
        %mul3A_645 = arith.constant 16 : i32
        %mul3A_646 = arith.muli %add3A_644, %mul3A_645 : i32
        %get3A_647 = arith.index_cast %rem3A_41 : i32 to index
        %get3A_648 = arith.index_cast %mul3A_646 : i32 to index
        %get3A_649 = tpu.vector_load %arg9[%get3A_647, %get3A_648] {strides = array<i32>} : memref<2x2048xf32, #tpu.memory_space<vmem>>, vector<16xf32>,
        %ge3A_650 = arith.cmpf oge, %get3A_649, %broadcast_in_dim3A : vector<16xf32>
        %lt3A_651 = arith.constant 240 : i32
        %lt3A_652 = arith.cmpi slt, %add3A_640, %lt3A_651 : i32
        %and3A_653 = vector.broadcast %lt3A_652 : i1 to vector<16xi1>
        %and3A_654 = arith.andi %ge3A_650, %and3A_653 : vector<16xi1>
        %mul3A_655 = arith.constant 16 : i32
        %mul3A_656 = arith.muli %add3A_644, %mul3A_655 : i32
        %add3A_657 = arith.addi %mul3A_48, %mul3A_656 : i32
        %add3A_658 = vector.broadcast %add3A_657 : i32 to vector<16xi32>
        %add3A_659 = arith.addi %add3A_658, %iota3A : vector<16xi32>
        %min3A_660 = arith.constant 240 : i32
        %min3A_661 = arith.minsi %add3A_640, %min3A_660 : i32
        %swap3A_662 = arith.index_cast %min3A_661 : i32 to index
        %swap3A_663 = tpu.vector_load %arg10[%swap3A_662] masked %and3A_654 {strides = array<i32>} : memref<272xi32, #tpu.memory_space<vmem>>, vector<16xi32>, vector<16xi1>
        tpu.vector_store %arg10[%swap3A_662], %add3A_659 masked %and3A_654 {strides = array<i32>} : memref<272xi32, #tpu.memory_space<vmem>>, vector<16xi32>, vector<16xi1>
        %swap3A_664 = arith.index_cast %min3A_661 : i32 to index
        %swap3A_665 = tpu.vector_load %arg11[%swap3A_664] masked %and3A_654 {strides = array<i32>} : memref<256xi32, #tpu.memory_space<vmem>>, vector<16xi32>, vector<16xi1>
        tpu.vector_store %arg11[%swap3A_664], %add3A_659 masked %and3A_654 {strides = array<i32>} : memref<256xi32, #tpu.memory_space<vmem>>, vector<16xi32>, vector<16xi1>
        %convert_element_type3A_666 = arith.extui %and3A_654 : vector<16xi1> to vector<16xi32>
        %reduce_sum3A_667 = arith.constant true
        %reduce_sum3A_668 = vector.broadcast %reduce_sum3A_667 : i1 to vector<16xi1>
        %reduce_sum3A_669 = tpu.scan <sum>, %convert_element_type3A_666 masked %reduce_sum3A_668 : vector<16xi32>, vector<16xi1> -> vector<16xi32>
        %reduce_sum3A_670 = vector.extract %reduce_sum3A_669[15] : i32 from vector<16xi32>
        %add3A_671 = arith.addi %add3A_640, %reduce_sum3A_670 : i32
        scf.yield %add3A_671 : i32
      }
      %scan3A_67 = arith.constant 16 : i32
      %sub3A_68 = arith.constant 256 : i32
      %sub3A_69 = arith.subi %sub3A_68, %scan3A_66 : i32
      %add3A_70 = arith.constant 16 : i32
      %add3A_71 = arith.addi %sub3A_69, %add3A_70 : i32
      %sub3A_72 = arith.constant 1 : i32
      %sub3A_73 = arith.subi %add3A_71, %sub3A_72 : i32
      %jit3A = arith.constant 16 : i32
      %div3A = arith.divsi %sub3A_73, %jit3A : i32
      %sign3A = arith.constant 0 : i32
      %sign3A_74 = arith.cmpi sgt, %sub3A_73, %sign3A : i32
      %sign3A_75 = arith.extui %sign3A_74 : i1 to i32
      %sign3A_76 = arith.constant 0 : i32
      %sign3A_77 = arith.cmpi slt, %sub3A_73, %sign3A_76 : i32
      %sign3A_78 = arith.extui %sign3A_77 : i1 to i32
      %sign3A_79 = arith.subi %sign3A_75, %sign3A_78 : i32
      %sign3A_80 = arith.constant 0 : i32
      %sign3A_81 = arith.cmpi sgt, %jit3A, %sign3A_80 : i32
      %sign3A_82 = arith.extui %sign3A_81 : i1 to i32
      %sign3A_83 = arith.constant 0 : i32
      %sign3A_84 = arith.cmpi slt, %jit3A, %sign3A_83 : i32
      %sign3A_85 = arith.extui %sign3A_84 : i1 to i32
      %sign3A_86 = arith.subi %sign3A_82, %sign3A_85 : i32
      %ne3A = arith.cmpi ne, %sign3A_79, %sign3A_86 : i32
      %rem3A_87 = arith.remsi %sub3A_73, %jit3A : i32
      %ne3A_88 = arith.constant 0 : i32
      %ne3A_89 = arith.cmpi ne, %rem3A_87, %ne3A_88 : i32
      %and3A = arith.andi %ne3A, %ne3A_89 : i1
      %sub3A_90 = arith.constant 1 : i32
      %sub3A_91 = arith.subi %div3A, %sub3A_90 : i32
      %select_n3A = arith.select %and3A, %sub3A_91, %div3A : i32
      %while3A = arith.constant 0 : i32
      %while3A_92 = arith.constant 0 : i32
      %while3A_93 = arith.subi %select_n3A, %while3A : i32
      %while3A_94 = arith.addi %while3A, %while3A_93 : i32
      %while3A_95 = arith.constant 1 : i32
      %while3A_96 = arith.divsi %while3A_93, %while3A_95 : i32
      %while3A_97 = arith.muli %while3A_96, %while3A_95 : i32
      %while3A_98 = arith.addi %while3A, %while3A_97 : i32
      %while3A_99 = arith.constant 1 : i32
      %while3A_100 = scf.for %while3A_426 = %while3A to %while3A_98 step %while3A_99 iter_args(%while3A_427 = %while3A_92) -> (i32)  : i32 {
        %mul3A_428 = arith.constant 16 : i32
        %mul3A_429 = arith.muli %while3A_426, %mul3A_428 : i32
        %add3A_430 = arith.addi %scan3A_66, %mul3A_429 : i32
        %min3A_431 = arith.constant 240 : i32
        %min3A_432 = arith.minsi %add3A_430, %min3A_431 : i32
        %broadcast_in_dim3A_433 = arith.constant 0 : i32
        %broadcast_in_dim3A_434 = vector.broadcast %broadcast_in_dim3A_433 : i32 to vector<16xi32>
        %swap3A_435 = arith.index_cast %min3A_432 : i32 to index
        %swap3A_436 = tpu.vector_load %arg11[%swap3A_435] {strides = array<i32>} : memref<256xi32, #tpu.memory_space<vmem>>, vector<16xi32>,
        tpu.vector_store %arg11[%swap3A_435], %broadcast_in_dim3A_434 {strides = array<i32>} : memref<256xi32, #tpu.memory_space<vmem>>, vector<16xi32>,
        %while3A_437 = arith.constant 0 : i32
        scf.yield %while3A_437 : i32
      }
      %while3A_101 = arith.constant 1 : i32
      %while3A_102 = scf.for %while3A_426 = %while3A_98 to %while3A_94 step %while3A_101 iter_args(%while3A_427 = %while3A_100) -> (i32)  : i32 {
        %mul3A_428 = arith.constant 16 : i32
        %mul3A_429 = arith.muli %while3A_426, %mul3A_428 : i32
        %add3A_430 = arith.addi %scan3A_66, %mul3A_429 : i32
        %min3A_431 = arith.constant 240 : i32
        %min3A_432 = arith.minsi %add3A_430, %min3A_431 : i32
        %broadcast_in_dim3A_433 = arith.constant 0 : i32
        %broadcast_in_dim3A_434 = vector.broadcast %broadcast_in_dim3A_433 : i32 to vector<16xi32>
        %swap3A_435 = arith.index_cast %min3A_432 : i32 to index
        %swap3A_436 = tpu.vector_load %arg11[%swap3A_435] {strides = array<i32>} : memref<256xi32, #tpu.memory_space<vmem>>, vector<16xi32>,
        tpu.vector_store %arg11[%swap3A_435], %broadcast_in_dim3A_434 {strides = array<i32>} : memref<256xi32, #tpu.memory_space<vmem>>, vector<16xi32>,
        %while3A_437 = arith.constant 0 : i32
        scf.yield %while3A_437 : i32
      }
      %dma_start3A_103 = arith.constant 0 : i32
      %dma_start3A_104 = arith.constant 0 : i32
      %dma_start3A_105 = tpu.memref_slice %arg2[%dma_start3A_103, %dma_start3A_104] : memref<2097152x32xf32, #tpu.memory_space<hbm>> -> memref<2097152x32xf32, #tpu.memory_space<hbm>>
      tpu.enqueue_indirect_dma source(%dma_start3A_105 : memref<2097152x32xf32, #tpu.memory_space<hbm>>) target(%arg12 : memref<256x32xf32, #tpu.memory_space<vmem>>) offsets(%arg11 : memref<256xi32, #tpu.memory_space<vmem>>) semaphore(%arg18 : memref<!tpu.dma_semaphore, #tpu.memory_space<semaphore_mem>>)
      %add3A_106 = arith.constant 1 : i32
      %add3A_107 = arith.addi %add3A_39, %add3A_106 : i32
      %add3A_108 = arith.constant 32 : i32
      %add3A_109 = arith.addi %mul3A_2, %add3A_108 : i32
      %sub3A_110 = arith.constant 1 : i32
      %sub3A_111 = arith.subi %add3A_109, %sub3A_110 : i32
      %min3A = arith.minsi %add3A_107, %sub3A_111 : i32
      %sub3A_112 = arith.constant 1 : i32
      %sub3A_113 = arith.subi %sub3A_112, %rem3A_41 : i32
      %dma_start3A_114 = arith.constant 0 : i32
      %dma_start3A_115 = tpu.memref_slice %arg9[%sub3A_113, %dma_start3A_114] : memref<2x2048xf32, #tpu.memory_space<vmem>> -> memref<1x2048xf32, #tpu.memory_space<vmem>>
      %dma_start3A_116 = tpu.memref_squeeze %dma_start3A_115 : memref<1x2048xf32, #tpu.memory_space<vmem>> -> memref<2048xf32, #tpu.memory_space<vmem>>
      %dma_start3A_117 = arith.constant 0 : i32
      %dma_start3A_118 = tpu.memref_slice %arg3[%min3A, %dma_start3A_117] : memref<1024x2048xf32, #tpu.memory_space<hbm>> -> memref<1x2048xf32, #tpu.memory_space<hbm>>
      %dma_start3A_119 = tpu.memref_squeeze %dma_start3A_118 : memref<1x2048xf32, #tpu.memory_space<hbm>> -> memref<2048xf32, #tpu.memory_space<hbm>>
      %dma_start3A_120 = arith.constant 0 : i32
      %dma_start3A_121 = tpu.memref_slice %arg9[%sub3A_113, %dma_start3A_120] : memref<2x2048xf32, #tpu.memory_space<vmem>> -> memref<1x2048xf32, #tpu.memory_space<vmem>>
      %dma_start3A_122 = tpu.memref_squeeze %dma_start3A_121 : memref<1x2048xf32, #tpu.memory_space<vmem>> -> memref<2048xf32, #tpu.memory_space<vmem>>
      %dma_start3A_123 = arith.constant 0 : i32
      %dma_start3A_124 = tpu.memref_slice %arg3[%min3A, %dma_start3A_123] : memref<1024x2048xf32, #tpu.memory_space<hbm>> -> memref<1x2048xf32, #tpu.memory_space<hbm>>
      %dma_start3A_125 = tpu.memref_squeeze %dma_start3A_124 : memref<1x2048xf32, #tpu.memory_space<hbm>> -> memref<2048xf32, #tpu.memory_space<hbm>>
      tpu.enqueue_dma source(%dma_start3A_125 : memref<2048xf32, #tpu.memory_space<hbm>>) target(%dma_start3A_122 : memref<2048xf32, #tpu.memory_space<vmem>>) target_semaphore(%arg17 : memref<!tpu.dma_semaphore, #tpu.memory_space<semaphore_mem>>)
      %broadcast_in_dim3A_126 = arith.constant 0.000000e+00 : f32
      %broadcast_in_dim3A_127 = vector.broadcast %broadcast_in_dim3A_126 : f32 to vector<16xf32>
      %swap3A = arith.constant 0 : index
      %swap3A_128 = tpu.vector_load %arg15[%swap3A] {strides = array<i32>} : memref<1024xf32, #tpu.memory_space<vmem>>, vector<16xf32>,
      tpu.vector_store %arg15[%swap3A], %broadcast_in_dim3A_127 {strides = array<i32>} : memref<1024xf32, #tpu.memory_space<vmem>>, vector<16xf32>,
      %broadcast_in_dim3A_129 = arith.constant 0.000000e+00 : f32
      %broadcast_in_dim3A_130 = vector.broadcast %broadcast_in_dim3A_129 : f32 to vector<16xf32>
      %swap3A_131 = arith.constant 16 : index
      %swap3A_132 = tpu.vector_load %arg15[%swap3A_131] {strides = array<i32>} : memref<1024xf32, #tpu.memory_space<vmem>>, vector<16xf32>,
      tpu.vector_store %arg15[%swap3A_131], %broadcast_in_dim3A_130 {strides = array<i32>} : memref<1024xf32, #tpu.memory_space<vmem>>, vector<16xf32>,
      %broadcast_in_dim3A_133 = arith.constant 0.000000e+00 : f32
      %broadcast_in_dim3A_134 = vector.broadcast %broadcast_in_dim3A_133 : f32 to vector<16xf32>
      %swap3A_135 = arith.constant 32 : index
      %swap3A_136 = tpu.vector_load %arg15[%swap3A_135] {strides = array<i32>} : memref<1024xf32, #tpu.memory_space<vmem>>, vector<16xf32>,
      tpu.vector_store %arg15[%swap3A_135], %broadcast_in_dim3A_134 {strides = array<i32>} : memref<1024xf32, #tpu.memory_space<vmem>>, vector<16xf32>,
      %broadcast_in_dim3A_137 = arith.constant 0.000000e+00 : f32
      %broadcast_in_dim3A_138 = vector.broadcast %broadcast_in_dim3A_137 : f32 to vector<16xf32>
      %swap3A_139 = arith.constant 48 : index
      %swap3A_140 = tpu.vector_load %arg15[%swap3A_139] {strides = array<i32>} : memref<1024xf32, #tpu.memory_space<vmem>>, vector<16xf32>,
      tpu.vector_store %arg15[%swap3A_139], %broadcast_in_dim3A_138 {strides = array<i32>} : memref<1024xf32, #tpu.memory_space<vmem>>, vector<16xf32>,
      %broadcast_in_dim3A_141 = arith.constant 0.000000e+00 : f32
      %broadcast_in_dim3A_142 = vector.broadcast %broadcast_in_dim3A_141 : f32 to vector<16xf32>
      %swap3A_143 = arith.constant 64 : index
      %swap3A_144 = tpu.vector_load %arg15[%swap3A_143] {strides = array<i32>} : memref<1024xf32, #tpu.memory_space<vmem>>, vector<16xf32>,
      tpu.vector_store %arg15[%swap3A_143], %broadcast_in_dim3A_142 {strides = array<i32>} : memref<1024xf32, #tpu.memory_space<vmem>>, vector<16xf32>,
      %broadcast_in_dim3A_145 = arith.constant 0.000000e+00 : f32
      %broadcast_in_dim3A_146 = vector.broadcast %broadcast_in_dim3A_145 : f32 to vector<16xf32>
      %swap3A_147 = arith.constant 80 : index
      %swap3A_148 = tpu.vector_load %arg15[%swap3A_147] {strides = array<i32>} : memref<1024xf32, #tpu.memory_space<vmem>>, vector<16xf32>,
      tpu.vector_store %arg15[%swap3A_147], %broadcast_in_dim3A_146 {strides = array<i32>} : memref<1024xf32, #tpu.memory_space<vmem>>, vector<16xf32>,
      %broadcast_in_dim3A_149 = arith.constant 0.000000e+00 : f32
      %broadcast_in_dim3A_150 = vector.broadcast %broadcast_in_dim3A_149 : f32 to vector<16xf32>
      %swap3A_151 = arith.constant 96 : index
      %swap3A_152 = tpu.vector_load %arg15[%swap3A_151] {strides = array<i32>} : memref<1024xf32, #tpu.memory_space<vmem>>, vector<16xf32>,
      tpu.vector_store %arg15[%swap3A_151], %broadcast_in_dim3A_150 {strides = array<i32>} : memref<1024xf32, #tpu.memory_space<vmem>>, vector<16xf32>,
      %broadcast_in_dim3A_153 = arith.constant 0.000000e+00 : f32
      %broadcast_in_dim3A_154 = vector.broadcast %broadcast_in_dim3A_153 : f32 to vector<16xf32>
      %swap3A_155 = arith.constant 112 : index
      %swap3A_156 = tpu.vector_load %arg15[%swap3A_155] {strides = array<i32>} : memref<1024xf32, #tpu.memory_space<vmem>>, vector<16xf32>,
      tpu.vector_store %arg15[%swap3A_155], %broadcast_in_dim3A_154 {strides = array<i32>} : memref<1024xf32, #tpu.memory_space<vmem>>, vector<16xf32>,
      %broadcast_in_dim3A_157 = arith.constant 0.000000e+00 : f32
      %broadcast_in_dim3A_158 = vector.broadcast %broadcast_in_dim3A_157 : f32 to vector<16xf32>
      %swap3A_159 = arith.constant 128 : index
      %swap3A_160 = tpu.vector_load %arg15[%swap3A_159] {strides = array<i32>} : memref<1024xf32, #tpu.memory_space<vmem>>, vector<16xf32>,
      tpu.vector_store %arg15[%swap3A_159], %broadcast_in_dim3A_158 {strides = array<i32>} : memref<1024xf32, #tpu.memory_space<vmem>>, vector<16xf32>,
      %broadcast_in_dim3A_161 = arith.constant 0.000000e+00 : f32
      %broadcast_in_dim3A_162 = vector.broadcast %broadcast_in_dim3A_161 : f32 to vector<16xf32>
      %swap3A_163 = arith.constant 144 : index
      %swap3A_164 = tpu.vector_load %arg15[%swap3A_163] {strides = array<i32>} : memref<1024xf32, #tpu.memory_space<vmem>>, vector<16xf32>,
      tpu.vector_store %arg15[%swap3A_163], %broadcast_in_dim3A_162 {strides = array<i32>} : memref<1024xf32, #tpu.memory_space<vmem>>, vector<16xf32>,
      %broadcast_in_dim3A_165 = arith.constant 0.000000e+00 : f32
      %broadcast_in_dim3A_166 = vector.broadcast %broadcast_in_dim3A_165 : f32 to vector<16xf32>
      %swap3A_167 = arith.constant 160 : index
      %swap3A_168 = tpu.vector_load %arg15[%swap3A_167] {strides = array<i32>} : memref<1024xf32, #tpu.memory_space<vmem>>, vector<16xf32>,
      tpu.vector_store %arg15[%swap3A_167], %broadcast_in_dim3A_166 {strides = array<i32>} : memref<1024xf32, #tpu.memory_space<vmem>>, vector<16xf32>,
      %broadcast_in_dim3A_169 = arith.constant 0.000000e+00 : f32
      %broadcast_in_dim3A_170 = vector.broadcast %broadcast_in_dim3A_169 : f32 to vector<16xf32>
      %swap3A_171 = arith.constant 176 : index
      %swap3A_172 = tpu.vector_load %arg15[%swap3A_171] {strides = array<i32>} : memref<1024xf32, #tpu.memory_space<vmem>>, vector<16xf32>,
      tpu.vector_store %arg15[%swap3A_171], %broadcast_in_dim3A_170 {strides = array<i32>} : memref<1024xf32, #tpu.memory_space<vmem>>, vector<16xf32>,
      %broadcast_in_dim3A_173 = arith.constant 0.000000e+00 : f32
      %broadcast_in_dim3A_174 = vector.broadcast %broadcast_in_dim3A_173 : f32 to vector<16xf32>
      %swap3A_175 = arith.constant 192 : index
      %swap3A_176 = tpu.vector_load %arg15[%swap3A_175] {strides = array<i32>} : memref<1024xf32, #tpu.memory_space<vmem>>, vector<16xf32>,
      tpu.vector_store %arg15[%swap3A_175], %broadcast_in_dim3A_174 {strides = array<i32>} : memref<1024xf32, #tpu.memory_space<vmem>>, vector<16xf32>,
      %broadcast_in_dim3A_177 = arith.constant 0.000000e+00 : f32
      %broadcast_in_dim3A_178 = vector.broadcast %broadcast_in_dim3A_177 : f32 to vector<16xf32>
      %swap3A_179 = arith.constant 208 : index
      %swap3A_180 = tpu.vector_load %arg15[%swap3A_179] {strides = array<i32>} : memref<1024xf32, #tpu.memory_space<vmem>>, vector<16xf32>,
      tpu.vector_store %arg15[%swap3A_179], %broadcast_in_dim3A_178 {strides = array<i32>} : memref<1024xf32, #tpu.memory_space<vmem>>, vector<16xf32>,
      %broadcast_in_dim3A_181 = arith.constant 0.000000e+00 : f32
      %broadcast_in_dim3A_182 = vector.broadcast %broadcast_in_dim3A_181 : f32 to vector<16xf32>
      %swap3A_183 = arith.constant 224 : index
      %swap3A_184 = tpu.vector_load %arg15[%swap3A_183] {strides = array<i32>} : memref<1024xf32, #tpu.memory_space<vmem>>, vector<16xf32>,
      tpu.vector_store %arg15[%swap3A_183], %broadcast_in_dim3A_182 {strides = array<i32>} : memref<1024xf32, #tpu.memory_space<vmem>>, vector<16xf32>,
      %broadcast_in_dim3A_185 = arith.constant 0.000000e+00 : f32
      %broadcast_in_dim3A_186 = vector.broadcast %broadcast_in_dim3A_185 : f32 to vector<16xf32>
      %swap3A_187 = arith.constant 240 : index
      %swap3A_188 = tpu.vector_load %arg15[%swap3A_187] {strides = array<i32>} : memref<1024xf32, #tpu.memory_space<vmem>>, vector<16xf32>,
      tpu.vector_store %arg15[%swap3A_187], %broadcast_in_dim3A_186 {strides = array<i32>} : memref<1024xf32, #tpu.memory_space<vmem>>, vector<16xf32>,
      %broadcast_in_dim3A_189 = arith.constant 0.000000e+00 : f32
      %broadcast_in_dim3A_190 = vector.broadcast %broadcast_in_dim3A_189 : f32 to vector<16xf32>
      %swap3A_191 = arith.constant 256 : index
      %swap3A_192 = tpu.vector_load %arg15[%swap3A_191] {strides = array<i32>} : memref<1024xf32, #tpu.memory_space<vmem>>, vector<16xf32>,
      tpu.vector_store %arg15[%swap3A_191], %broadcast_in_dim3A_190 {strides = array<i32>} : memref<1024xf32, #tpu.memory_space<vmem>>, vector<16xf32>,
      %broadcast_in_dim3A_193 = arith.constant 0.000000e+00 : f32
      %broadcast_in_dim3A_194 = vector.broadcast %broadcast_in_dim3A_193 : f32 to vector<16xf32>
      %swap3A_195 = arith.constant 272 : index
      %swap3A_196 = tpu.vector_load %arg15[%swap3A_195] {strides = array<i32>} : memref<1024xf32, #tpu.memory_space<vmem>>, vector<16xf32>,
      tpu.vector_store %arg15[%swap3A_195], %broadcast_in_dim3A_194 {strides = array<i32>} : memref<1024xf32, #tpu.memory_space<vmem>>, vector<16xf32>,
      %broadcast_in_dim3A_197 = arith.constant 0.000000e+00 : f32
      %broadcast_in_dim3A_198 = vector.broadcast %broadcast_in_dim3A_197 : f32 to vector<16xf32>
      %swap3A_199 = arith.constant 288 : index
      %swap3A_200 = tpu.vector_load %arg15[%swap3A_199] {strides = array<i32>} : memref<1024xf32, #tpu.memory_space<vmem>>, vector<16xf32>,
      tpu.vector_store %arg15[%swap3A_199], %broadcast_in_dim3A_198 {strides = array<i32>} : memref<1024xf32, #tpu.memory_space<vmem>>, vector<16xf32>,
      %broadcast_in_dim3A_201 = arith.constant 0.000000e+00 : f32
      %broadcast_in_dim3A_202 = vector.broadcast %broadcast_in_dim3A_201 : f32 to vector<16xf32>
      %swap3A_203 = arith.constant 304 : index
      %swap3A_204 = tpu.vector_load %arg15[%swap3A_203] {strides = array<i32>} : memref<1024xf32, #tpu.memory_space<vmem>>, vector<16xf32>,
      tpu.vector_store %arg15[%swap3A_203], %broadcast_in_dim3A_202 {strides = array<i32>} : memref<1024xf32, #tpu.memory_space<vmem>>, vector<16xf32>,
      %broadcast_in_dim3A_205 = arith.constant 0.000000e+00 : f32
      %broadcast_in_dim3A_206 = vector.broadcast %broadcast_in_dim3A_205 : f32 to vector<16xf32>
      %swap3A_207 = arith.constant 320 : index
      %swap3A_208 = tpu.vector_load %arg15[%swap3A_207] {strides = array<i32>} : memref<1024xf32, #tpu.memory_space<vmem>>, vector<16xf32>,
      tpu.vector_store %arg15[%swap3A_207], %broadcast_in_dim3A_206 {strides = array<i32>} : memref<1024xf32, #tpu.memory_space<vmem>>, vector<16xf32>,
      %broadcast_in_dim3A_209 = arith.constant 0.000000e+00 : f32
      %broadcast_in_dim3A_210 = vector.broadcast %broadcast_in_dim3A_209 : f32 to vector<16xf32>
      %swap3A_211 = arith.constant 336 : index
      %swap3A_212 = tpu.vector_load %arg15[%swap3A_211] {strides = array<i32>} : memref<1024xf32, #tpu.memory_space<vmem>>, vector<16xf32>,
      tpu.vector_store %arg15[%swap3A_211], %broadcast_in_dim3A_210 {strides = array<i32>} : memref<1024xf32, #tpu.memory_space<vmem>>, vector<16xf32>,
      %broadcast_in_dim3A_213 = arith.constant 0.000000e+00 : f32
      %broadcast_in_dim3A_214 = vector.broadcast %broadcast_in_dim3A_213 : f32 to vector<16xf32>
      %swap3A_215 = arith.constant 352 : index
      %swap3A_216 = tpu.vector_load %arg15[%swap3A_215] {strides = array<i32>} : memref<1024xf32, #tpu.memory_space<vmem>>, vector<16xf32>,
      tpu.vector_store %arg15[%swap3A_215], %broadcast_in_dim3A_214 {strides = array<i32>} : memref<1024xf32, #tpu.memory_space<vmem>>, vector<16xf32>,
      %broadcast_in_dim3A_217 = arith.constant 0.000000e+00 : f32
      %broadcast_in_dim3A_218 = vector.broadcast %broadcast_in_dim3A_217 : f32 to vector<16xf32>
      %swap3A_219 = arith.constant 368 : index
      %swap3A_220 = tpu.vector_load %arg15[%swap3A_219] {strides = array<i32>} : memref<1024xf32, #tpu.memory_space<vmem>>, vector<16xf32>,
      tpu.vector_store %arg15[%swap3A_219], %broadcast_in_dim3A_218 {strides = array<i32>} : memref<1024xf32, #tpu.memory_space<vmem>>, vector<16xf32>,
      %broadcast_in_dim3A_221 = arith.constant 0.000000e+00 : f32
      %broadcast_in_dim3A_222 = vector.broadcast %broadcast_in_dim3A_221 : f32 to vector<16xf32>
      %swap3A_223 = arith.constant 384 : index
      %swap3A_224 = tpu.vector_load %arg15[%swap3A_223] {strides = array<i32>} : memref<1024xf32, #tpu.memory_space<vmem>>, vector<16xf32>,
      tpu.vector_store %arg15[%swap3A_223], %broadcast_in_dim3A_222 {strides = array<i32>} : memref<1024xf32, #tpu.memory_space<vmem>>, vector<16xf32>,
      %broadcast_in_dim3A_225 = arith.constant 0.000000e+00 : f32
      %broadcast_in_dim3A_226 = vector.broadcast %broadcast_in_dim3A_225 : f32 to vector<16xf32>
      %swap3A_227 = arith.constant 400 : index
      %swap3A_228 = tpu.vector_load %arg15[%swap3A_227] {strides = array<i32>} : memref<1024xf32, #tpu.memory_space<vmem>>, vector<16xf32>,
      tpu.vector_store %arg15[%swap3A_227], %broadcast_in_dim3A_226 {strides = array<i32>} : memref<1024xf32, #tpu.memory_space<vmem>>, vector<16xf32>,
      %broadcast_in_dim3A_229 = arith.constant 0.000000e+00 : f32
      %broadcast_in_dim3A_230 = vector.broadcast %broadcast_in_dim3A_229 : f32 to vector<16xf32>
      %swap3A_231 = arith.constant 416 : index
      %swap3A_232 = tpu.vector_load %arg15[%swap3A_231] {strides = array<i32>} : memref<1024xf32, #tpu.memory_space<vmem>>, vector<16xf32>,
      tpu.vector_store %arg15[%swap3A_231], %broadcast_in_dim3A_230 {strides = array<i32>} : memref<1024xf32, #tpu.memory_space<vmem>>, vector<16xf32>,
      %broadcast_in_dim3A_233 = arith.constant 0.000000e+00 : f32
      %broadcast_in_dim3A_234 = vector.broadcast %broadcast_in_dim3A_233 : f32 to vector<16xf32>
      %swap3A_235 = arith.constant 432 : index
      %swap3A_236 = tpu.vector_load %arg15[%swap3A_235] {strides = array<i32>} : memref<1024xf32, #tpu.memory_space<vmem>>, vector<16xf32>,
      tpu.vector_store %arg15[%swap3A_235], %broadcast_in_dim3A_234 {strides = array<i32>} : memref<1024xf32, #tpu.memory_space<vmem>>, vector<16xf32>,
      %broadcast_in_dim3A_237 = arith.constant 0.000000e+00 : f32
      %broadcast_in_dim3A_238 = vector.broadcast %broadcast_in_dim3A_237 : f32 to vector<16xf32>
      %swap3A_239 = arith.constant 448 : index
      %swap3A_240 = tpu.vector_load %arg15[%swap3A_239] {strides = array<i32>} : memref<1024xf32, #tpu.memory_space<vmem>>, vector<16xf32>,
      tpu.vector_store %arg15[%swap3A_239], %broadcast_in_dim3A_238 {strides = array<i32>} : memref<1024xf32, #tpu.memory_space<vmem>>, vector<16xf32>,
      %broadcast_in_dim3A_241 = arith.constant 0.000000e+00 : f32
      %broadcast_in_dim3A_242 = vector.broadcast %broadcast_in_dim3A_241 : f32 to vector<16xf32>
      %swap3A_243 = arith.constant 464 : index
      %swap3A_244 = tpu.vector_load %arg15[%swap3A_243] {strides = array<i32>} : memref<1024xf32, #tpu.memory_space<vmem>>, vector<16xf32>,
      tpu.vector_store %arg15[%swap3A_243], %broadcast_in_dim3A_242 {strides = array<i32>} : memref<1024xf32, #tpu.memory_space<vmem>>, vector<16xf32>,
      %broadcast_in_dim3A_245 = arith.constant 0.000000e+00 : f32
      %broadcast_in_dim3A_246 = vector.broadcast %broadcast_in_dim3A_245 : f32 to vector<16xf32>
      %swap3A_247 = arith.constant 480 : index
      %swap3A_248 = tpu.vector_load %arg15[%swap3A_247] {strides = array<i32>} : memref<1024xf32, #tpu.memory_space<vmem>>, vector<16xf32>,
      tpu.vector_store %arg15[%swap3A_247], %broadcast_in_dim3A_246 {strides = array<i32>} : memref<1024xf32, #tpu.memory_space<vmem>>, vector<16xf32>,
      %broadcast_in_dim3A_249 = arith.constant 0.000000e+00 : f32
      %broadcast_in_dim3A_250 = vector.broadcast %broadcast_in_dim3A_249 : f32 to vector<16xf32>
      %swap3A_251 = arith.constant 496 : index
      %swap3A_252 = tpu.vector_load %arg15[%swap3A_251] {strides = array<i32>} : memref<1024xf32, #tpu.memory_space<vmem>>, vector<16xf32>,
      tpu.vector_store %arg15[%swap3A_251], %broadcast_in_dim3A_250 {strides = array<i32>} : memref<1024xf32, #tpu.memory_space<vmem>>, vector<16xf32>,
      %broadcast_in_dim3A_253 = arith.constant 0.000000e+00 : f32
      %broadcast_in_dim3A_254 = vector.broadcast %broadcast_in_dim3A_253 : f32 to vector<16xf32>
      %swap3A_255 = arith.constant 512 : index
      %swap3A_256 = tpu.vector_load %arg15[%swap3A_255] {strides = array<i32>} : memref<1024xf32, #tpu.memory_space<vmem>>, vector<16xf32>,
      tpu.vector_store %arg15[%swap3A_255], %broadcast_in_dim3A_254 {strides = array<i32>} : memref<1024xf32, #tpu.memory_space<vmem>>, vector<16xf32>,
      %broadcast_in_dim3A_257 = arith.constant 0.000000e+00 : f32
      %broadcast_in_dim3A_258 = vector.broadcast %broadcast_in_dim3A_257 : f32 to vector<16xf32>
      %swap3A_259 = arith.constant 528 : index
      %swap3A_260 = tpu.vector_load %arg15[%swap3A_259] {strides = array<i32>} : memref<1024xf32, #tpu.memory_space<vmem>>, vector<16xf32>,
      tpu.vector_store %arg15[%swap3A_259], %broadcast_in_dim3A_258 {strides = array<i32>} : memref<1024xf32, #tpu.memory_space<vmem>>, vector<16xf32>,
      %broadcast_in_dim3A_261 = arith.constant 0.000000e+00 : f32
      %broadcast_in_dim3A_262 = vector.broadcast %broadcast_in_dim3A_261 : f32 to vector<16xf32>
      %swap3A_263 = arith.constant 544 : index
      %swap3A_264 = tpu.vector_load %arg15[%swap3A_263] {strides = array<i32>} : memref<1024xf32, #tpu.memory_space<vmem>>, vector<16xf32>,
      tpu.vector_store %arg15[%swap3A_263], %broadcast_in_dim3A_262 {strides = array<i32>} : memref<1024xf32, #tpu.memory_space<vmem>>, vector<16xf32>,
      %broadcast_in_dim3A_265 = arith.constant 0.000000e+00 : f32
      %broadcast_in_dim3A_266 = vector.broadcast %broadcast_in_dim3A_265 : f32 to vector<16xf32>
      %swap3A_267 = arith.constant 560 : index
      %swap3A_268 = tpu.vector_load %arg15[%swap3A_267] {strides = array<i32>} : memref<1024xf32, #tpu.memory_space<vmem>>, vector<16xf32>,
      tpu.vector_store %arg15[%swap3A_267], %broadcast_in_dim3A_266 {strides = array<i32>} : memref<1024xf32, #tpu.memory_space<vmem>>, vector<16xf32>,
      %broadcast_in_dim3A_269 = arith.constant 0.000000e+00 : f32
      %broadcast_in_dim3A_270 = vector.broadcast %broadcast_in_dim3A_269 : f32 to vector<16xf32>
      %swap3A_271 = arith.constant 576 : index
      %swap3A_272 = tpu.vector_load %arg15[%swap3A_271] {strides = array<i32>} : memref<1024xf32, #tpu.memory_space<vmem>>, vector<16xf32>,
      tpu.vector_store %arg15[%swap3A_271], %broadcast_in_dim3A_270 {strides = array<i32>} : memref<1024xf32, #tpu.memory_space<vmem>>, vector<16xf32>,
      %broadcast_in_dim3A_273 = arith.constant 0.000000e+00 : f32
      %broadcast_in_dim3A_274 = vector.broadcast %broadcast_in_dim3A_273 : f32 to vector<16xf32>
      %swap3A_275 = arith.constant 592 : index
      %swap3A_276 = tpu.vector_load %arg15[%swap3A_275] {strides = array<i32>} : memref<1024xf32, #tpu.memory_space<vmem>>, vector<16xf32>,
      tpu.vector_store %arg15[%swap3A_275], %broadcast_in_dim3A_274 {strides = array<i32>} : memref<1024xf32, #tpu.memory_space<vmem>>, vector<16xf32>,
      %broadcast_in_dim3A_277 = arith.constant 0.000000e+00 : f32
      %broadcast_in_dim3A_278 = vector.broadcast %broadcast_in_dim3A_277 : f32 to vector<16xf32>
      %swap3A_279 = arith.constant 608 : index
      %swap3A_280 = tpu.vector_load %arg15[%swap3A_279] {strides = array<i32>} : memref<1024xf32, #tpu.memory_space<vmem>>, vector<16xf32>,
      tpu.vector_store %arg15[%swap3A_279], %broadcast_in_dim3A_278 {strides = array<i32>} : memref<1024xf32, #tpu.memory_space<vmem>>, vector<16xf32>,
      %broadcast_in_dim3A_281 = arith.constant 0.000000e+00 : f32
      %broadcast_in_dim3A_282 = vector.broadcast %broadcast_in_dim3A_281 : f32 to vector<16xf32>
      %swap3A_283 = arith.constant 624 : index
      %swap3A_284 = tpu.vector_load %arg15[%swap3A_283] {strides = array<i32>} : memref<1024xf32, #tpu.memory_space<vmem>>, vector<16xf32>,
      tpu.vector_store %arg15[%swap3A_283], %broadcast_in_dim3A_282 {strides = array<i32>} : memref<1024xf32, #tpu.memory_space<vmem>>, vector<16xf32>,
      %broadcast_in_dim3A_285 = arith.constant 0.000000e+00 : f32
      %broadcast_in_dim3A_286 = vector.broadcast %broadcast_in_dim3A_285 : f32 to vector<16xf32>
      %swap3A_287 = arith.constant 640 : index
      %swap3A_288 = tpu.vector_load %arg15[%swap3A_287] {strides = array<i32>} : memref<1024xf32, #tpu.memory_space<vmem>>, vector<16xf32>,
      tpu.vector_store %arg15[%swap3A_287], %broadcast_in_dim3A_286 {strides = array<i32>} : memref<1024xf32, #tpu.memory_space<vmem>>, vector<16xf32>,
      %broadcast_in_dim3A_289 = arith.constant 0.000000e+00 : f32
      %broadcast_in_dim3A_290 = vector.broadcast %broadcast_in_dim3A_289 : f32 to vector<16xf32>
      %swap3A_291 = arith.constant 656 : index
      %swap3A_292 = tpu.vector_load %arg15[%swap3A_291] {strides = array<i32>} : memref<1024xf32, #tpu.memory_space<vmem>>, vector<16xf32>,
      tpu.vector_store %arg15[%swap3A_291], %broadcast_in_dim3A_290 {strides = array<i32>} : memref<1024xf32, #tpu.memory_space<vmem>>, vector<16xf32>,
      %broadcast_in_dim3A_293 = arith.constant 0.000000e+00 : f32
      %broadcast_in_dim3A_294 = vector.broadcast %broadcast_in_dim3A_293 : f32 to vector<16xf32>
      %swap3A_295 = arith.constant 672 : index
      %swap3A_296 = tpu.vector_load %arg15[%swap3A_295] {strides = array<i32>} : memref<1024xf32, #tpu.memory_space<vmem>>, vector<16xf32>,
      tpu.vector_store %arg15[%swap3A_295], %broadcast_in_dim3A_294 {strides = array<i32>} : memref<1024xf32, #tpu.memory_space<vmem>>, vector<16xf32>,
      %broadcast_in_dim3A_297 = arith.constant 0.000000e+00 : f32
      %broadcast_in_dim3A_298 = vector.broadcast %broadcast_in_dim3A_297 : f32 to vector<16xf32>
      %swap3A_299 = arith.constant 688 : index
      %swap3A_300 = tpu.vector_load %arg15[%swap3A_299] {strides = array<i32>} : memref<1024xf32, #tpu.memory_space<vmem>>, vector<16xf32>,
      tpu.vector_store %arg15[%swap3A_299], %broadcast_in_dim3A_298 {strides = array<i32>} : memref<1024xf32, #tpu.memory_space<vmem>>, vector<16xf32>,
      %broadcast_in_dim3A_301 = arith.constant 0.000000e+00 : f32
      %broadcast_in_dim3A_302 = vector.broadcast %broadcast_in_dim3A_301 : f32 to vector<16xf32>
      %swap3A_303 = arith.constant 704 : index
      %swap3A_304 = tpu.vector_load %arg15[%swap3A_303] {strides = array<i32>} : memref<1024xf32, #tpu.memory_space<vmem>>, vector<16xf32>,
      tpu.vector_store %arg15[%swap3A_303], %broadcast_in_dim3A_302 {strides = array<i32>} : memref<1024xf32, #tpu.memory_space<vmem>>, vector<16xf32>,
      %broadcast_in_dim3A_305 = arith.constant 0.000000e+00 : f32
      %broadcast_in_dim3A_306 = vector.broadcast %broadcast_in_dim3A_305 : f32 to vector<16xf32>
      %swap3A_307 = arith.constant 720 : index
      %swap3A_308 = tpu.vector_load %arg15[%swap3A_307] {strides = array<i32>} : memref<1024xf32, #tpu.memory_space<vmem>>, vector<16xf32>,
      tpu.vector_store %arg15[%swap3A_307], %broadcast_in_dim3A_306 {strides = array<i32>} : memref<1024xf32, #tpu.memory_space<vmem>>, vector<16xf32>,
      %broadcast_in_dim3A_309 = arith.constant 0.000000e+00 : f32
      %broadcast_in_dim3A_310 = vector.broadcast %broadcast_in_dim3A_309 : f32 to vector<16xf32>
      %swap3A_311 = arith.constant 736 : index
      %swap3A_312 = tpu.vector_load %arg15[%swap3A_311] {strides = array<i32>} : memref<1024xf32, #tpu.memory_space<vmem>>, vector<16xf32>,
      tpu.vector_store %arg15[%swap3A_311], %broadcast_in_dim3A_310 {strides = array<i32>} : memref<1024xf32, #tpu.memory_space<vmem>>, vector<16xf32>,
      %broadcast_in_dim3A_313 = arith.constant 0.000000e+00 : f32
      %broadcast_in_dim3A_314 = vector.broadcast %broadcast_in_dim3A_313 : f32 to vector<16xf32>
      %swap3A_315 = arith.constant 752 : index
      %swap3A_316 = tpu.vector_load %arg15[%swap3A_315] {strides = array<i32>} : memref<1024xf32, #tpu.memory_space<vmem>>, vector<16xf32>,
      tpu.vector_store %arg15[%swap3A_315], %broadcast_in_dim3A_314 {strides = array<i32>} : memref<1024xf32, #tpu.memory_space<vmem>>, vector<16xf32>,
      %broadcast_in_dim3A_317 = arith.constant 0.000000e+00 : f32
      %broadcast_in_dim3A_318 = vector.broadcast %broadcast_in_dim3A_317 : f32 to vector<16xf32>
      %swap3A_319 = arith.constant 768 : index
      %swap3A_320 = tpu.vector_load %arg15[%swap3A_319] {strides = array<i32>} : memref<1024xf32, #tpu.memory_space<vmem>>, vector<16xf32>,
      tpu.vector_store %arg15[%swap3A_319], %broadcast_in_dim3A_318 {strides = array<i32>} : memref<1024xf32, #tpu.memory_space<vmem>>, vector<16xf32>,
      %broadcast_in_dim3A_321 = arith.constant 0.000000e+00 : f32
      %broadcast_in_dim3A_322 = vector.broadcast %broadcast_in_dim3A_321 : f32 to vector<16xf32>
      %swap3A_323 = arith.constant 784 : index
      %swap3A_324 = tpu.vector_load %arg15[%swap3A_323] {strides = array<i32>} : memref<1024xf32, #tpu.memory_space<vmem>>, vector<16xf32>,
      tpu.vector_store %arg15[%swap3A_323], %broadcast_in_dim3A_322 {strides = array<i32>} : memref<1024xf32, #tpu.memory_space<vmem>>, vector<16xf32>,
      %broadcast_in_dim3A_325 = arith.constant 0.000000e+00 : f32
      %broadcast_in_dim3A_326 = vector.broadcast %broadcast_in_dim3A_325 : f32 to vector<16xf32>
      %swap3A_327 = arith.constant 800 : index
      %swap3A_328 = tpu.vector_load %arg15[%swap3A_327] {strides = array<i32>} : memref<1024xf32, #tpu.memory_space<vmem>>, vector<16xf32>,
      tpu.vector_store %arg15[%swap3A_327], %broadcast_in_dim3A_326 {strides = array<i32>} : memref<1024xf32, #tpu.memory_space<vmem>>, vector<16xf32>,
      %broadcast_in_dim3A_329 = arith.constant 0.000000e+00 : f32
      %broadcast_in_dim3A_330 = vector.broadcast %broadcast_in_dim3A_329 : f32 to vector<16xf32>
      %swap3A_331 = arith.constant 816 : index
      %swap3A_332 = tpu.vector_load %arg15[%swap3A_331] {strides = array<i32>} : memref<1024xf32, #tpu.memory_space<vmem>>, vector<16xf32>,
      tpu.vector_store %arg15[%swap3A_331], %broadcast_in_dim3A_330 {strides = array<i32>} : memref<1024xf32, #tpu.memory_space<vmem>>, vector<16xf32>,
      %broadcast_in_dim3A_333 = arith.constant 0.000000e+00 : f32
      %broadcast_in_dim3A_334 = vector.broadcast %broadcast_in_dim3A_333 : f32 to vector<16xf32>
      %swap3A_335 = arith.constant 832 : index
      %swap3A_336 = tpu.vector_load %arg15[%swap3A_335] {strides = array<i32>} : memref<1024xf32, #tpu.memory_space<vmem>>, vector<16xf32>,
      tpu.vector_store %arg15[%swap3A_335], %broadcast_in_dim3A_334 {strides = array<i32>} : memref<1024xf32, #tpu.memory_space<vmem>>, vector<16xf32>,
      %broadcast_in_dim3A_337 = arith.constant 0.000000e+00 : f32
      %broadcast_in_dim3A_338 = vector.broadcast %broadcast_in_dim3A_337 : f32 to vector<16xf32>
      %swap3A_339 = arith.constant 848 : index
      %swap3A_340 = tpu.vector_load %arg15[%swap3A_339] {strides = array<i32>} : memref<1024xf32, #tpu.memory_space<vmem>>, vector<16xf32>,
      tpu.vector_store %arg15[%swap3A_339], %broadcast_in_dim3A_338 {strides = array<i32>} : memref<1024xf32, #tpu.memory_space<vmem>>, vector<16xf32>,
      %broadcast_in_dim3A_341 = arith.constant 0.000000e+00 : f32
      %broadcast_in_dim3A_342 = vector.broadcast %broadcast_in_dim3A_341 : f32 to vector<16xf32>
      %swap3A_343 = arith.constant 864 : index
      %swap3A_344 = tpu.vector_load %arg15[%swap3A_343] {strides = array<i32>} : memref<1024xf32, #tpu.memory_space<vmem>>, vector<16xf32>,
      tpu.vector_store %arg15[%swap3A_343], %broadcast_in_dim3A_342 {strides = array<i32>} : memref<1024xf32, #tpu.memory_space<vmem>>, vector<16xf32>,
      %broadcast_in_dim3A_345 = arith.constant 0.000000e+00 : f32
      %broadcast_in_dim3A_346 = vector.broadcast %broadcast_in_dim3A_345 : f32 to vector<16xf32>
      %swap3A_347 = arith.constant 880 : index
      %swap3A_348 = tpu.vector_load %arg15[%swap3A_347] {strides = array<i32>} : memref<1024xf32, #tpu.memory_space<vmem>>, vector<16xf32>,
      tpu.vector_store %arg15[%swap3A_347], %broadcast_in_dim3A_346 {strides = array<i32>} : memref<1024xf32, #tpu.memory_space<vmem>>, vector<16xf32>,
      %broadcast_in_dim3A_349 = arith.constant 0.000000e+00 : f32
      %broadcast_in_dim3A_350 = vector.broadcast %broadcast_in_dim3A_349 : f32 to vector<16xf32>
      %swap3A_351 = arith.constant 896 : index
      %swap3A_352 = tpu.vector_load %arg15[%swap3A_351] {strides = array<i32>} : memref<1024xf32, #tpu.memory_space<vmem>>, vector<16xf32>,
      tpu.vector_store %arg15[%swap3A_351], %broadcast_in_dim3A_350 {strides = array<i32>} : memref<1024xf32, #tpu.memory_space<vmem>>, vector<16xf32>,
      %broadcast_in_dim3A_353 = arith.constant 0.000000e+00 : f32
      %broadcast_in_dim3A_354 = vector.broadcast %broadcast_in_dim3A_353 : f32 to vector<16xf32>
      %swap3A_355 = arith.constant 912 : index
      %swap3A_356 = tpu.vector_load %arg15[%swap3A_355] {strides = array<i32>} : memref<1024xf32, #tpu.memory_space<vmem>>, vector<16xf32>,
      tpu.vector_store %arg15[%swap3A_355], %broadcast_in_dim3A_354 {strides = array<i32>} : memref<1024xf32, #tpu.memory_space<vmem>>, vector<16xf32>,
      %broadcast_in_dim3A_357 = arith.constant 0.000000e+00 : f32
      %broadcast_in_dim3A_358 = vector.broadcast %broadcast_in_dim3A_357 : f32 to vector<16xf32>
      %swap3A_359 = arith.constant 928 : index
      %swap3A_360 = tpu.vector_load %arg15[%swap3A_359] {strides = array<i32>} : memref<1024xf32, #tpu.memory_space<vmem>>, vector<16xf32>,
      tpu.vector_store %arg15[%swap3A_359], %broadcast_in_dim3A_358 {strides = array<i32>} : memref<1024xf32, #tpu.memory_space<vmem>>, vector<16xf32>,
      %broadcast_in_dim3A_361 = arith.constant 0.000000e+00 : f32
      %broadcast_in_dim3A_362 = vector.broadcast %broadcast_in_dim3A_361 : f32 to vector<16xf32>
      %swap3A_363 = arith.constant 944 : index
      %swap3A_364 = tpu.vector_load %arg15[%swap3A_363] {strides = array<i32>} : memref<1024xf32, #tpu.memory_space<vmem>>, vector<16xf32>,
      tpu.vector_store %arg15[%swap3A_363], %broadcast_in_dim3A_362 {strides = array<i32>} : memref<1024xf32, #tpu.memory_space<vmem>>, vector<16xf32>,
      %broadcast_in_dim3A_365 = arith.constant 0.000000e+00 : f32
      %broadcast_in_dim3A_366 = vector.broadcast %broadcast_in_dim3A_365 : f32 to vector<16xf32>
      %swap3A_367 = arith.constant 960 : index
      %swap3A_368 = tpu.vector_load %arg15[%swap3A_367] {strides = array<i32>} : memref<1024xf32, #tpu.memory_space<vmem>>, vector<16xf32>,
      tpu.vector_store %arg15[%swap3A_367], %broadcast_in_dim3A_366 {strides = array<i32>} : memref<1024xf32, #tpu.memory_space<vmem>>, vector<16xf32>,
      %broadcast_in_dim3A_369 = arith.constant 0.000000e+00 : f32
      %broadcast_in_dim3A_370 = vector.broadcast %broadcast_in_dim3A_369 : f32 to vector<16xf32>
      %swap3A_371 = arith.constant 976 : index
      %swap3A_372 = tpu.vector_load %arg15[%swap3A_371] {strides = array<i32>} : memref<1024xf32, #tpu.memory_space<vmem>>, vector<16xf32>,
      tpu.vector_store %arg15[%swap3A_371], %broadcast_in_dim3A_370 {strides = array<i32>} : memref<1024xf32, #tpu.memory_space<vmem>>, vector<16xf32>,
      %broadcast_in_dim3A_373 = arith.constant 0.000000e+00 : f32
      %broadcast_in_dim3A_374 = vector.broadcast %broadcast_in_dim3A_373 : f32 to vector<16xf32>
      %swap3A_375 = arith.constant 992 : index
      %swap3A_376 = tpu.vector_load %arg15[%swap3A_375] {strides = array<i32>} : memref<1024xf32, #tpu.memory_space<vmem>>, vector<16xf32>,
      tpu.vector_store %arg15[%swap3A_375], %broadcast_in_dim3A_374 {strides = array<i32>} : memref<1024xf32, #tpu.memory_space<vmem>>, vector<16xf32>,
      %broadcast_in_dim3A_377 = arith.constant 0.000000e+00 : f32
      %broadcast_in_dim3A_378 = vector.broadcast %broadcast_in_dim3A_377 : f32 to vector<16xf32>
      %swap3A_379 = arith.constant 1008 : index
      %swap3A_380 = tpu.vector_load %arg15[%swap3A_379] {strides = array<i32>} : memref<1024xf32, #tpu.memory_space<vmem>>, vector<16xf32>,
      tpu.vector_store %arg15[%swap3A_379], %broadcast_in_dim3A_378 {strides = array<i32>} : memref<1024xf32, #tpu.memory_space<vmem>>, vector<16xf32>,
      %dma_wait3A_381 = arith.constant 0 : i32
      %dma_wait3A_382 = arith.constant 0 : i32
      %dma_wait3A_383 = tpu.memref_slice %arg2[%dma_wait3A_381, %dma_wait3A_382] : memref<2097152x32xf32, #tpu.memory_space<hbm>> -> memref<2097152x32xf32, #tpu.memory_space<hbm>>
      tpu.wait_indirect_dma semaphore(%arg18 : memref<!tpu.dma_semaphore, #tpu.memory_space<semaphore_mem>>) src(%dma_wait3A_383 : memref<2097152x32xf32, #tpu.memory_space<hbm>>) dst(%arg12 : memref<256x32xf32, #tpu.memory_space<vmem>>)
      %while3A_384 = arith.constant 0 : i32
      %while3A_385 = arith.constant 0 : i32
      %while3A_386 = arith.subi %scan3A_66, %while3A_384 : i32
      %while3A_387 = arith.addi %while3A_384, %while3A_386 : i32
      %while3A_388 = arith.constant 1 : i32
      %while3A_389 = arith.divsi %while3A_386, %while3A_388 : i32
      %while3A_390 = arith.muli %while3A_389, %while3A_388 : i32
      %while3A_391 = arith.addi %while3A_384, %while3A_390 : i32
      %while3A_392 = arith.constant 1 : i32
      %while3A_393 = scf.for %while3A_426 = %while3A_384 to %while3A_391 step %while3A_392 iter_args(%while3A_427 = %while3A_385) -> (i32)  : i32 {
        %get3A_428 = arith.index_cast %while3A_426 : i32 to index
        %get3A_429 = tpu.vector_load %arg10[%get3A_428] {strides = array<i32>} : memref<272xi32, #tpu.memory_space<vmem>>, vector<16xi32>,
        %slice3A_430 = vector.extract_strided_slice %get3A_429 {offsets = [0], sizes = [1], strides = [1]} : vector<16xi32> to vector<1xi32>
        %squeeze3A_431 = vector.extract %slice3A_430[0] : i32 from vector<1xi32>
        %sub3A_432 = arith.subi %squeeze3A_431, %mul3A_48 : i32
        %mul3A_433 = arith.constant 32 : i32
        %mul3A_434 = arith.muli %sub3A_432, %mul3A_433 : i32
        %get3A_435 = arith.index_cast %while3A_426 : i32 to index
        %get3A_436 = arith.constant 0 : index
        %get3A_437 = tpu.vector_load %arg12[%get3A_435, %get3A_436] {strides = array<i32>} : memref<256x32xf32, #tpu.memory_space<vmem>>, vector<16xf32>,
        %add3A_438 = arith.constant 0 : i32
        %add3A_439 = arith.addi %mul3A_434, %add3A_438 : i32
        %add3A_440 = vector.broadcast %add3A_439 : i32 to vector<16xi32>
        %add3A_441 = arith.addi %add3A_440, %iota3A : vector<16xi32>
        %ge3A = arith.cmpf oge, %get3A_437, %broadcast_in_dim3A : vector<16xf32>
        %sub3A_442 = vector.broadcast %squeeze3A_46 : f32 to vector<16xf32>
        %sub3A_443 = arith.subf %get3A_437, %sub3A_442 : vector<16xf32>
        %mul3A_444 = arith.constant 14.2857141 : f32
        %mul3A_445 = vector.broadcast %mul3A_444 : f32 to vector<16xf32>
        %mul3A_446 = arith.mulf %sub3A_443, %mul3A_445 : vector<16xf32>
        %exp3A = math.exp %mul3A_446 : vector<16xf32>
        %gather3A = tpu.vector_load_idx %arg8[%add3A_441] : memref<65536xi32, #tpu.memory_space<vmem>>[vector<16xi32>], vector<16xi32>,
        tpu.vector_store_idx %arg15[%gather3A], %exp3A masked %ge3A {add = true} : memref<1024xf32, #tpu.memory_space<vmem>>[vector<16xi32>], vector<16xf32>, vector<16xi1>
        %get3A_447 = arith.index_cast %while3A_426 : i32 to index
        %get3A_448 = arith.constant 16 : index
        %get3A_449 = tpu.vector_load %arg12[%get3A_447, %get3A_448] {strides = array<i32>} : memref<256x32xf32, #tpu.memory_space<vmem>>, vector<16xf32>,
        %add3A_450 = arith.constant 16 : i32
        %add3A_451 = arith.addi %mul3A_434, %add3A_450 : i32
        %add3A_452 = vector.broadcast %add3A_451 : i32 to vector<16xi32>
        %add3A_453 = arith.addi %add3A_452, %iota3A : vector<16xi32>
        %ge3A_454 = arith.cmpf oge, %get3A_449, %broadcast_in_dim3A : vector<16xf32>
        %sub3A_455 = vector.broadcast %squeeze3A_46 : f32 to vector<16xf32>
        %sub3A_456 = arith.subf %get3A_449, %sub3A_455 : vector<16xf32>
        %mul3A_457 = arith.constant 14.2857141 : f32
        %mul3A_458 = vector.broadcast %mul3A_457 : f32 to vector<16xf32>
        %mul3A_459 = arith.mulf %sub3A_456, %mul3A_458 : vector<16xf32>
        %exp3A_460 = math.exp %mul3A_459 : vector<16xf32>
        %gather3A_461 = tpu.vector_load_idx %arg8[%add3A_453] : memref<65536xi32, #tpu.memory_space<vmem>>[vector<16xi32>], vector<16xi32>,
        tpu.vector_store_idx %arg15[%gather3A_461], %exp3A_460 masked %ge3A_454 {add = true} : memref<1024xf32, #tpu.memory_space<vmem>>[vector<16xi32>], vector<16xf32>, vector<16xi1>
        %while3A_462 = arith.constant 0 : i32
        scf.yield %while3A_462 : i32
      }
      %while3A_394 = arith.constant 1 : i32
      %while3A_395 = scf.for %while3A_426 = %while3A_391 to %while3A_387 step %while3A_394 iter_args(%while3A_427 = %while3A_393) -> (i32)  : i32 {
        %get3A_428 = arith.index_cast %while3A_426 : i32 to index
        %get3A_429 = tpu.vector_load %arg10[%get3A_428] {strides = array<i32>} : memref<272xi32, #tpu.memory_space<vmem>>, vector<16xi32>,
        %slice3A_430 = vector.extract_strided_slice %get3A_429 {offsets = [0], sizes = [1], strides = [1]} : vector<16xi32> to vector<1xi32>
        %squeeze3A_431 = vector.extract %slice3A_430[0] : i32 from vector<1xi32>
        %sub3A_432 = arith.subi %squeeze3A_431, %mul3A_48 : i32
        %mul3A_433 = arith.constant 32 : i32
        %mul3A_434 = arith.muli %sub3A_432, %mul3A_433 : i32
        %get3A_435 = arith.index_cast %while3A_426 : i32 to index
        %get3A_436 = arith.constant 0 : index
        %get3A_437 = tpu.vector_load %arg12[%get3A_435, %get3A_436] {strides = array<i32>} : memref<256x32xf32, #tpu.memory_space<vmem>>, vector<16xf32>,
        %add3A_438 = arith.constant 0 : i32
        %add3A_439 = arith.addi %mul3A_434, %add3A_438 : i32
        %add3A_440 = vector.broadcast %add3A_439 : i32 to vector<16xi32>
        %add3A_441 = arith.addi %add3A_440, %iota3A : vector<16xi32>
        %ge3A = arith.cmpf oge, %get3A_437, %broadcast_in_dim3A : vector<16xf32>
        %sub3A_442 = vector.broadcast %squeeze3A_46 : f32 to vector<16xf32>
        %sub3A_443 = arith.subf %get3A_437, %sub3A_442 : vector<16xf32>
        %mul3A_444 = arith.constant 14.2857141 : f32
        %mul3A_445 = vector.broadcast %mul3A_444 : f32 to vector<16xf32>
        %mul3A_446 = arith.mulf %sub3A_443, %mul3A_445 : vector<16xf32>
        %exp3A = math.exp %mul3A_446 : vector<16xf32>
        %gather3A = tpu.vector_load_idx %arg8[%add3A_441] : memref<65536xi32, #tpu.memory_space<vmem>>[vector<16xi32>], vector<16xi32>,
        tpu.vector_store_idx %arg15[%gather3A], %exp3A masked %ge3A {add = true} : memref<1024xf32, #tpu.memory_space<vmem>>[vector<16xi32>], vector<16xf32>, vector<16xi1>
        %get3A_447 = arith.index_cast %while3A_426 : i32 to index
        %get3A_448 = arith.constant 16 : index
        %get3A_449 = tpu.vector_load %arg12[%get3A_447, %get3A_448] {strides = array<i32>} : memref<256x32xf32, #tpu.memory_space<vmem>>, vector<16xf32>,
        %add3A_450 = arith.constant 16 : i32
        %add3A_451 = arith.addi %mul3A_434, %add3A_450 : i32
        %add3A_452 = vector.broadcast %add3A_451 : i32 to vector<16xi32>
        %add3A_453 = arith.addi %add3A_452, %iota3A : vector<16xi32>
        %ge3A_454 = arith.cmpf oge, %get3A_449, %broadcast_in_dim3A : vector<16xf32>
        %sub3A_455 = vector.broadcast %squeeze3A_46 : f32 to vector<16xf32>
        %sub3A_456 = arith.subf %get3A_449, %sub3A_455 : vector<16xf32>
        %mul3A_457 = arith.constant 14.2857141 : f32
        %mul3A_458 = vector.broadcast %mul3A_457 : f32 to vector<16xf32>
        %mul3A_459 = arith.mulf %sub3A_456, %mul3A_458 : vector<16xf32>
        %exp3A_460 = math.exp %mul3A_459 : vector<16xf32>
        %gather3A_461 = tpu.vector_load_idx %arg8[%add3A_453] : memref<65536xi32, #tpu.memory_space<vmem>>[vector<16xi32>], vector<16xi32>,
        tpu.vector_store_idx %arg15[%gather3A_461], %exp3A_460 masked %ge3A_454 {add = true} : memref<1024xf32, #tpu.memory_space<vmem>>[vector<16xi32>], vector<16xf32>, vector<16xi1>
        %while3A_462 = arith.constant 0 : i32
        scf.yield %while3A_462 : i32
      }
      %broadcast_in_dim3A_396 = arith.constant -1.000000e+00 : f32
      %broadcast_in_dim3A_397 = vector.broadcast %broadcast_in_dim3A_396 : f32 to vector<16xf32>
      %broadcast_in_dim3A_398 = arith.constant 0 : i32
      %broadcast_in_dim3A_399 = vector.broadcast %broadcast_in_dim3A_398 : i32 to vector<16xi32>
      %scan3A_400 = arith.constant 0 : i32
      %scan3A_401 = arith.constant 64 : i32
      %scan3A_402 = arith.addi %scan3A_400, %scan3A_401 : i32
      %scan3A_403 = arith.constant 1 : i32
      %scan3A_404:2 = scf.for %scan3A_426 = %scan3A_400 to %scan3A_402 step %scan3A_403 iter_args(%scan3A_427 = %broadcast_in_dim3A_397, %scan3A_428 = %broadcast_in_dim3A_399) -> (vector<16xf32>, vector<16xi32>)  : i32 {
        %mul3A_429 = arith.constant 16 : i32
        %mul3A_430 = arith.muli %scan3A_426, %mul3A_429 : i32
        %get3A_431 = arith.index_cast %mul3A_430 : i32 to index
        %get3A_432 = tpu.vector_load %arg15[%get3A_431] {strides = array<i32>} : memref<1024xf32, #tpu.memory_space<vmem>>, vector<16xf32>,
        %mul3A_433 = arith.constant 16 : i32
        %mul3A_434 = arith.muli %scan3A_426, %mul3A_433 : i32
        %add3A_435 = vector.broadcast %mul3A_434 : i32 to vector<16xi32>
        %add3A_436 = arith.addi %add3A_435, %iota3A : vector<16xi32>
        %gt3A = arith.cmpf ogt, %get3A_432, %scan3A_427 : vector<16xf32>
        %select_n3A_437 = arith.select %gt3A, %get3A_432, %scan3A_427 : vector<16xi1>, vector<16xf32>
        %select_n3A_438 = arith.select %gt3A, %add3A_436, %scan3A_428 : vector<16xi1>, vector<16xi32>
        scf.yield %select_n3A_437, %select_n3A_438 : vector<16xf32>, vector<16xi32>
      }
      %scan3A_405 = arith.constant 64 : i32
      %reduce_max3A = arith.constant true
      %reduce_max3A_406 = vector.broadcast %reduce_max3A : i1 to vector<16xi1>
      %reduce_max3A_407 = tpu.scan <max>, %scan3A_404#0 masked %reduce_max3A_406 : vector<16xf32>, vector<16xi1> -> vector<16xf32>
      %reduce_max3A_408 = vector.extract %reduce_max3A_407[15] : f32 from vector<16xf32>
      %eq3A = vector.broadcast %reduce_max3A_408 : f32 to vector<16xf32>
      %eq3A_409 = arith.cmpf oeq, %scan3A_404#0, %eq3A : vector<16xf32>
      %jit3A_410 = arith.constant 1048576 : i32
      %broadcast_in_dim3A_411 = vector.broadcast %jit3A_410 : i32 to vector<16xi32>
      %select_n3A_412 = arith.select %eq3A_409, %scan3A_404#1, %broadcast_in_dim3A_411 : vector<16xi1>, vector<16xi32>
      %reduce_min3A = arith.constant true
      %reduce_min3A_413 = vector.broadcast %reduce_min3A : i1 to vector<16xi1>
      %reduce_min3A_414 = arith.constant -2147483648 : i32
      %reduce_min3A_415 = vector.broadcast %reduce_min3A_414 : i32 to vector<16xi32>
      %reduce_min3A_416 = arith.xori %select_n3A_412, %reduce_min3A_415 : vector<16xi32>
      %reduce_min3A_417 = tpu.scan <min>, %reduce_min3A_416 masked %reduce_min3A_413 : vector<16xi32>, vector<16xi1> -> vector<16xi32>
      %reduce_min3A_418 = arith.xori %reduce_min3A_417, %reduce_min3A_415 : vector<16xi32>
      %reduce_min3A_419 = vector.extract %reduce_min3A_418[15] : i32 from vector<16xi32>
      %broadcast_in_dim3A_420 = vector.broadcast %scan3A_37 : i32 to vector<16xi32>
      %broadcast_in_dim3A_421 = vector.broadcast %reduce_min3A_419 : i32 to vector<16xi32>
      %eq3A_422 = arith.constant 0 : i32
      %eq3A_423 = vector.broadcast %eq3A_422 : i32 to vector<16xi32>
      %eq3A_424 = arith.cmpi eq, %iota3A, %eq3A_423 : vector<16xi32>
      tpu.vector_store_idx %arg16[%broadcast_in_dim3A_420], %broadcast_in_dim3A_421 masked %eq3A_424 : memref<32xi32, #tpu.memory_space<vmem>>[vector<16xi32>], vector<16xi32>, vector<16xi1>
      %scan3A_425 = arith.constant 0 : i32
      scf.yield %scan3A_425 : i32
    }
    %scan3A_20 = arith.constant 32 : i32
    %add3A_21 = arith.constant 32 : i32
    %add3A_22 = arith.addi %mul3A_2, %add3A_21 : i32
    %sub3A = arith.constant 1 : i32
    %sub3A_23 = arith.subi %add3A_22, %sub3A : i32
    %rem3A = arith.constant 32 : i32
    %rem3A_24 = arith.constant 2 : i32
    %rem3A_25 = arith.remsi %rem3A, %rem3A_24 : i32
    %dma_wait3A = arith.constant 0 : i32
    %dma_wait3A_26 = tpu.memref_slice %arg9[%rem3A_25, %dma_wait3A] : memref<2x2048xf32, #tpu.memory_space<vmem>> -> memref<1x2048xf32, #tpu.memory_space<vmem>>
    %dma_wait3A_27 = tpu.memref_squeeze %dma_wait3A_26 : memref<1x2048xf32, #tpu.memory_space<vmem>> -> memref<2048xf32, #tpu.memory_space<vmem>>
    %dma_wait3A_28 = arith.constant 0 : i32
    %dma_wait3A_29 = tpu.memref_slice %arg3[%sub3A_23, %dma_wait3A_28] : memref<1024x2048xf32, #tpu.memory_space<hbm>> -> memref<1x2048xf32, #tpu.memory_space<hbm>>
    %dma_wait3A_30 = tpu.memref_squeeze %dma_wait3A_29 : memref<1x2048xf32, #tpu.memory_space<hbm>> -> memref<2048xf32, #tpu.memory_space<hbm>>
    %dma_wait3A_31 = arith.constant 0 : i32
    %dma_wait3A_32 = tpu.memref_slice %arg9[%rem3A_25, %dma_wait3A_31] : memref<2x2048xf32, #tpu.memory_space<vmem>> -> memref<1x2048xf32, #tpu.memory_space<vmem>>
    %dma_wait3A_33 = tpu.memref_squeeze %dma_wait3A_32 : memref<1x2048xf32, #tpu.memory_space<vmem>> -> memref<2048xf32, #tpu.memory_space<vmem>>
    %dma_wait3A_34 = arith.constant 0 : i32
    %dma_wait3A_35 = tpu.memref_slice %arg3[%sub3A_23, %dma_wait3A_34] : memref<1024x2048xf32, #tpu.memory_space<hbm>> -> memref<1x2048xf32, #tpu.memory_space<hbm>>
    %dma_wait3A_36 = tpu.memref_squeeze %dma_wait3A_35 : memref<1x2048xf32, #tpu.memory_space<hbm>> -> memref<2048xf32, #tpu.memory_space<hbm>>
    tpu.wait_dma2 semaphore(%arg17 : memref<!tpu.dma_semaphore, #tpu.memory_space<semaphore_mem>>) src(%dma_wait3A_36 : memref<2048xf32, #tpu.memory_space<hbm>>) dst(%dma_wait3A_33 : memref<2048xf32, #tpu.memory_space<vmem>>)
    "tpu.region"() ({
      %run_scoped3A = tpu.sem_alloc : memref<!tpu.dma_semaphore, #tpu.memory_space<semaphore_mem>>
      %dma_start3A_37 = tpu.memref_slice %arg7[%mul3A_2] : memref<1024xi32, #tpu.memory_space<hbm>> -> memref<32xi32, #tpu.memory_space<hbm>>
      %dma_start3A_38 = tpu.memref_slice %arg7[%mul3A_2] : memref<1024xi32, #tpu.memory_space<hbm>> -> memref<32xi32, #tpu.memory_space<hbm>>
      tpu.enqueue_dma source(%arg16 : memref<32xi32, #tpu.memory_space<vmem>>) target(%dma_start3A_38 : memref<32xi32, #tpu.memory_space<hbm>>) target_semaphore(%run_scoped3A : memref<!tpu.dma_semaphore, #tpu.memory_space<semaphore_mem>>)
      %dma_wait3A_39 = tpu.memref_slice %arg7[%mul3A_2] : memref<1024xi32, #tpu.memory_space<hbm>> -> memref<32xi32, #tpu.memory_space<hbm>>
      %dma_wait3A_40 = tpu.memref_slice %arg7[%mul3A_2] : memref<1024xi32, #tpu.memory_space<hbm>> -> memref<32xi32, #tpu.memory_space<hbm>>
      tpu.wait_dma2 semaphore(%run_scoped3A : memref<!tpu.dma_semaphore, #tpu.memory_space<semaphore_mem>>) src(%arg16 : memref<32xi32, #tpu.memory_space<vmem>>) dst(%dma_wait3A_40 : memref<32xi32, #tpu.memory_space<hbm>>)
      tpu.yield
    }) : () -> ()
    return
  }
}

module attributes {stable_mosaic.version = 14 : i64} {
  func.func @_k1_body(%arg0: i32, %arg1: i32, %arg2: memref<256x256xf32, #tpu.memory_space<vmem>>, %arg3: memref<4096x256xf32, #tpu.memory_space<vmem>>, %arg4: memref<256x4096xf32, #tpu.memory_space<vmem>>, %arg5: memref<256x128xf32, #tpu.memory_space<vmem>>) attributes {dimension_semantics = [#tpu.dimension_semantics<arbitrary>, #tpu.dimension_semantics<arbitrary>], iteration_bounds = array<i64: 4, 16>, scalar_prefetch = 0 : i64, scratch_operands = 0 : i64, tpu.core_type = #tpu.core_type<tc>, window_params = [{transform_indices = @transform_0, window_bounds = array<i64: 256, 256>}, {transform_indices = @transform_1, window_bounds = array<i64: 4096, 256>}, {transform_indices = @transform_2, window_bounds = array<i64: 256, 4096>}, {transform_indices = @transform_3, window_bounds = array<i64: 256, 128>}]} {
    %get3A = arith.constant 0 : index
    %get3A_0 = arith.constant 0 : index
    %get3A_1 = vector.load %arg2[%get3A, %get3A_0] : memref<256x256xf32, #tpu.memory_space<vmem>>, vector<256x256xf32>
    %get3A_2 = arith.constant 0 : index
    %get3A_3 = arith.constant 0 : index
    %get3A_4 = vector.load %arg3[%get3A_2, %get3A_3] : memref<4096x256xf32, #tpu.memory_space<vmem>>, vector<4096x256xf32>
    %dot_general3A = arith.constant dense<0.000000e+00> : vector<256x4096xf32>
    %dot_general3A_5 = tpu.matmul %get3A_1, %get3A_4, %dot_general3A {dimension_numbers = #tpu.dot_dimension_numbers<[1], [1], [0], [0], [0, 0, 1, 0], [], []>, precision = #tpu.contract_precision<fp32>, transpose_lhs_hint = false} : vector<256x256xf32>, vector<4096x256xf32>, vector<256x4096xf32> -> vector<256x4096xf32>
    %swap3A = arith.constant 0 : index
    %swap3A_6 = arith.constant 0 : index
    %swap3A_7 = vector.load %arg4[%swap3A, %swap3A_6] : memref<256x4096xf32, #tpu.memory_space<vmem>>, vector<256x4096xf32>
    tpu.vector_store %arg4[%swap3A, %swap3A_6], %dot_general3A_5 {strides = array<i32>} : memref<256x4096xf32, #tpu.memory_space<vmem>>, vector<256x4096xf32>,
    %reshape3A = vector.shape_cast %dot_general3A_5 : vector<256x4096xf32> to vector<256x128x32xf32>
    %reduce_max3A = arith.constant dense<0xFF800000> : vector<256x128xf32>
    %reduce_max3A_8 = vector.multi_reduction <maximumf>, %reshape3A, %reduce_max3A [2] : vector<256x128x32xf32> to vector<256x128xf32>
    %swap3A_9 = arith.constant 0 : index
    %swap3A_10 = arith.constant 0 : index
    %swap3A_11 = vector.load %arg5[%swap3A_9, %swap3A_10] : memref<256x128xf32, #tpu.memory_space<vmem>>, vector<256x128xf32>
    tpu.vector_store %arg5[%swap3A_9, %swap3A_10], %reduce_max3A_8 {strides = array<i32>} : memref<256x128xf32, #tpu.memory_space<vmem>>, vector<256x128xf32>,
    return
  }
  func.func @transform_0(%arg0: i32, %arg1: i32) -> (i32, i32) {
    %c0_i32 = arith.constant 0 : i32
    %c0_i32_0 = arith.constant 0 : i32
    return %arg0, %c0_i32 : i32, i32
  }
  func.func @transform_1(%arg0: i32, %arg1: i32) -> (i32, i32) {
    %c0_i32 = arith.constant 0 : i32
    %c0_i32_0 = arith.constant 0 : i32
    return %arg1, %c0_i32 : i32, i32
  }
  func.func @transform_2(%arg0: i32, %arg1: i32) -> (i32, i32) {
    %c0_i32 = arith.constant 0 : i32
    return %arg0, %arg1 : i32, i32
  }
  func.func @transform_3(%arg0: i32, %arg1: i32) -> (i32, i32) {
    %c0_i32 = arith.constant 0 : i32
    return %arg0, %arg1 : i32, i32
  }
}

module attributes {stable_mosaic.version = 14 : i64} {
  func.func @_k2_body(%arg0: i32, %arg1: memref<256x2048xf32, #tpu.memory_space<vmem>>, %arg2: memref<256x1xf32, #tpu.memory_space<vmem>>, %arg3: memref<256x1xf32, #tpu.memory_space<vmem>>) attributes {dimension_semantics = [#tpu.dimension_semantics<arbitrary>], iteration_bounds = array<i64: 4>, scalar_prefetch = 0 : i64, scratch_operands = 0 : i64, tpu.core_type = #tpu.core_type<tc>, window_params = [{transform_indices = @transform_0, window_bounds = array<i64: 256, 2048>}, {transform_indices = @transform_1, window_bounds = array<i64: 256, 1>}, {transform_indices = @transform_2, window_bounds = array<i64: 256, 1>}]} {
    %get3A = arith.constant 0 : index
    %get3A_0 = arith.constant 0 : index
    %get3A_1 = vector.load %arg1[%get3A, %get3A_0] : memref<256x2048xf32, #tpu.memory_space<vmem>>, vector<256x2048xf32>
    %reduce_max3A = arith.constant dense<0xFF800000> : vector<256xf32>
    %reduce_max3A_2 = vector.multi_reduction <maximumf>, %get3A_1, %reduce_max3A [1] : vector<256x2048xf32> to vector<256xf32>
    %broadcast_in_dim3A = vector.shape_cast %reduce_max3A_2 : vector<256xf32> to vector<256x1xf32>
    %swap3A = arith.constant 0 : index
    %swap3A_3 = arith.constant 0 : index
    %swap3A_4 = vector.load %arg3[%swap3A, %swap3A_3] : memref<256x1xf32, #tpu.memory_space<vmem>>, vector<256x1xf32>
    tpu.vector_store %arg3[%swap3A, %swap3A_3], %broadcast_in_dim3A {strides = array<i32>} : memref<256x1xf32, #tpu.memory_space<vmem>>, vector<256x1xf32>,
    %bitcast_convert_type3A = tpu.bitcast %get3A_1 : vector<256x2048xf32> -> vector<256x2048xi32>
    %shift_right_logical3A = arith.constant 31 : i32
    %shift_right_logical3A_5 = vector.broadcast %shift_right_logical3A : i32 to vector<256x2048xi32>
    %shift_right_logical3A_6 = arith.shrui %bitcast_convert_type3A, %shift_right_logical3A_5 : vector<256x2048xi32>
    %gt3A = arith.constant 0 : i32
    %gt3A_7 = vector.broadcast %gt3A : i32 to vector<256x2048xi32>
    %gt3A_8 = arith.cmpi ugt, %shift_right_logical3A_6, %gt3A_7 : vector<256x2048xi32>
    %jit3A = arith.constant -1 : i32
    %jit3A_9 = arith.constant -2147483648 : i32
    %broadcast_in_dim3A_10 = vector.broadcast %jit3A : i32 to vector<256x2048xi32>
    %broadcast_in_dim3A_11 = vector.broadcast %jit3A_9 : i32 to vector<256x2048xi32>
    %select_n3A = arith.select %gt3A_8, %broadcast_in_dim3A_10, %broadcast_in_dim3A_11 : vector<256x2048xi1>, vector<256x2048xi32>
    %xor3A = arith.xori %bitcast_convert_type3A, %select_n3A : vector<256x2048xi32>
    %broadcast_in_dim3A_12 = arith.constant 0 : i32
    %broadcast_in_dim3A_13 = vector.broadcast %broadcast_in_dim3A_12 : i32 to vector<256x1xi32>
    %broadcast_in_dim3A_14 = arith.constant -2 : i32
    %broadcast_in_dim3A_15 = vector.broadcast %broadcast_in_dim3A_14 : i32 to vector<256x1xi32>
    %scan3A = arith.constant 0 : i32
    %scan3A_16 = arith.constant 33 : i32
    %scan3A_17 = arith.addi %scan3A, %scan3A_16 : i32
    %scan3A_18 = arith.constant 1 : i32
    %scan3A_19:2 = scf.for %scan3A_36 = %scan3A to %scan3A_17 step %scan3A_18 iter_args(%scan3A_37 = %broadcast_in_dim3A_13, %scan3A_38 = %broadcast_in_dim3A_15) -> (vector<256x1xi32>, vector<256x1xi32>)  : i32 {
      %sub3A = arith.subi %scan3A_38, %scan3A_37 : vector<256x1xi32>
      %add3A = arith.constant 1 : i32
      %add3A_39 = vector.broadcast %add3A : i32 to vector<256x1xi32>
      %add3A_40 = arith.addi %sub3A, %add3A_39 : vector<256x1xi32>
      %jit3A_41 = arith.constant 2 : i32
      %div3A = vector.broadcast %jit3A_41 : i32 to vector<256x1xi32>
      %div3A_42 = arith.divui %add3A_40, %div3A : vector<256x1xi32>
      %add3A_43 = arith.addi %scan3A_37, %div3A_42 : vector<256x1xi32>
      %ge3A = vector.broadcast %add3A_43 : vector<256x1xi32> to vector<256x2048xi32>
      %ge3A_44 = arith.cmpi uge, %xor3A, %ge3A : vector<256x2048xi32>
      %convert_element_type3A = arith.extui %ge3A_44 : vector<256x2048xi1> to vector<256x2048xi32>
      %reduce_sum3A = arith.constant dense<0> : vector<256xi32>
      %reduce_sum3A_45 = vector.multi_reduction <add>, %convert_element_type3A, %reduce_sum3A [1] : vector<256x2048xi32> to vector<256xi32>
      %broadcast_in_dim3A_46 = vector.shape_cast %reduce_sum3A_45 : vector<256xi32> to vector<256x1xi32>
      %ge3A_47 = arith.constant 200 : i32
      %ge3A_48 = vector.broadcast %ge3A_47 : i32 to vector<256x1xi32>
      %ge3A_49 = arith.cmpi sge, %broadcast_in_dim3A_46, %ge3A_48 : vector<256x1xi32>
      %select_n3A_50 = arith.select %ge3A_49, %add3A_43, %scan3A_37 : vector<256x1xi1>, vector<256x1xi32>
      %sub3A_51 = arith.constant 1 : i32
      %sub3A_52 = vector.broadcast %sub3A_51 : i32 to vector<256x1xi32>
      %sub3A_53 = arith.subi %add3A_43, %sub3A_52 : vector<256x1xi32>
      %select_n3A_54 = arith.select %ge3A_49, %scan3A_38, %sub3A_53 : vector<256x1xi1>, vector<256x1xi32>
      scf.yield %select_n3A_50, %select_n3A_54 : vector<256x1xi32>, vector<256x1xi32>
    }
    %shift_right_logical3A_20 = arith.constant 31 : i32
    %shift_right_logical3A_21 = vector.broadcast %shift_right_logical3A_20 : i32 to vector<256x1xi32>
    %shift_right_logical3A_22 = arith.shrui %scan3A_19#0, %shift_right_logical3A_21 : vector<256x1xi32>
    %gt3A_23 = arith.constant 0 : i32
    %gt3A_24 = vector.broadcast %gt3A_23 : i32 to vector<256x1xi32>
    %gt3A_25 = arith.cmpi ugt, %shift_right_logical3A_22, %gt3A_24 : vector<256x1xi32>
    %jit3A_26 = arith.constant -2147483648 : i32
    %jit3A_27 = arith.constant -1 : i32
    %broadcast_in_dim3A_28 = vector.broadcast %jit3A_26 : i32 to vector<256x1xi32>
    %broadcast_in_dim3A_29 = vector.broadcast %jit3A_27 : i32 to vector<256x1xi32>
    %select_n3A_30 = arith.select %gt3A_25, %broadcast_in_dim3A_28, %broadcast_in_dim3A_29 : vector<256x1xi1>, vector<256x1xi32>
    %xor3A_31 = arith.xori %scan3A_19#0, %select_n3A_30 : vector<256x1xi32>
    %bitcast_convert_type3A_32 = tpu.bitcast %xor3A_31 : vector<256x1xi32> -> vector<256x1xf32>
    %swap3A_33 = arith.constant 0 : index
    %swap3A_34 = arith.constant 0 : index
    %swap3A_35 = vector.load %arg2[%swap3A_33, %swap3A_34] : memref<256x1xf32, #tpu.memory_space<vmem>>, vector<256x1xf32>
    tpu.vector_store %arg2[%swap3A_33, %swap3A_34], %bitcast_convert_type3A_32 {strides = array<i32>} : memref<256x1xf32, #tpu.memory_space<vmem>>, vector<256x1xf32>,
    return
  }
  func.func @transform_0(%arg0: i32) -> (i32, i32) {
    %c0_i32 = arith.constant 0 : i32
    %c0_i32_0 = arith.constant 0 : i32
    return %arg0, %c0_i32 : i32, i32
  }
  func.func @transform_1(%arg0: i32) -> (i32, i32) {
    %c0_i32 = arith.constant 0 : i32
    %c0_i32_0 = arith.constant 0 : i32
    return %arg0, %c0_i32 : i32, i32
  }
  func.func @transform_2(%arg0: i32) -> (i32, i32) {
    %c0_i32 = arith.constant 0 : i32
    %c0_i32_0 = arith.constant 0 : i32
    return %arg0, %c0_i32 : i32, i32
  }
}

module attributes {stable_mosaic.version = 14 : i64} {
  func.func @_k4_body(%arg0: memref<1x1024xi32, #tpu.memory_space<vmem>>, %arg1: memref<1x1024xi32, #tpu.memory_space<vmem>>, %arg2: memref<1x1xf32, #tpu.memory_space<vmem>>) attributes {dimension_semantics = [], scalar_prefetch = 0 : i64, scratch_operands = 0 : i64, tpu.core_type = #tpu.core_type<tc>} {
    %get3A = arith.constant 0 : index
    %get3A_0 = arith.constant 0 : index
    %get3A_1 = vector.load %arg0[%get3A, %get3A_0] : memref<1x1024xi32, #tpu.memory_space<vmem>>, vector<1x1024xi32>
    %get3A_2 = vector.shape_cast %get3A_1 : vector<1x1024xi32> to vector<1024xi32>
    %get3A_3 = arith.constant 0 : index
    %get3A_4 = arith.constant 0 : index
    %get3A_5 = vector.load %arg1[%get3A_3, %get3A_4] : memref<1x1024xi32, #tpu.memory_space<vmem>>, vector<1x1024xi32>
    %get3A_6 = vector.shape_cast %get3A_5 : vector<1x1024xi32> to vector<1024xi32>
    %eq3A = arith.cmpi eq, %get3A_2, %get3A_6 : vector<1024xi32>
    %convert_element_type3A = arith.extui %eq3A : vector<1024xi1> to vector<1024xi32>
    %convert_element_type3A_7 = arith.sitofp %convert_element_type3A : vector<1024xi32> to vector<1024xf32>
    %reduce_sum3A = vector.shape_cast %convert_element_type3A_7 : vector<1024xf32> to vector<1x1024xf32>
    %reduce_sum3A_8 = arith.constant dense<0.000000e+00> : vector<1xf32>
    %reduce_sum3A_9 = vector.multi_reduction <add>, %reduce_sum3A, %reduce_sum3A_8 [1] : vector<1x1024xf32> to vector<1xf32>
    %reduce_sum3A_10 = vector.shape_cast %reduce_sum3A_9 : vector<1xf32> to vector<1x1xf32>
    %reduce_sum3A_11 = vector.extract %reduce_sum3A_10[0, 0] : f32 from vector<1x1xf32>
    %reshape3A = vector.broadcast %reduce_sum3A_11 : f32 to vector<1x1xf32>
    %swap3A = arith.constant 0 : index
    %swap3A_12 = arith.constant 0 : index
    %swap3A_13 = vector.load %arg2[%swap3A, %swap3A_12] : memref<1x1xf32, #tpu.memory_space<vmem>>, vector<1x1xf32>
    tpu.vector_store %arg2[%swap3A, %swap3A_12], %reshape3A {strides = array<i32>} : memref<1x1xf32, #tpu.memory_space<vmem>>, vector<1x1xf32>,
    return
  }
}

</mosaic_0001>

<sc_bundles>
// kernel: kernel.6.cloned.1.call-start
scs
__scs_entry_jumppad:
0x0: {  	(pc) =	sbr.rel $0x88, $3  }
0x1: {  	(tag) =	ssettag $0x0;
	lr =	simm.s32 $0x1  }
0x2: {  	[smem:$0x3F9C] =	sst lr;
	_ =	strace $0xD0000000  }
0x3: {  	_ = 	snop  }
0x4: {  	_ = 	snop  }
0x5: {  	_ = 	snop  }
0x6: {  	_ = 	snop  }
0x7: {  	_ = 	snop  }
__scs_overlays_trampoline_lowered:
0x8: {  	[smem:$0x3FAB] =	sst s0  }
0x9: {  	[smem:$0x3FAC] =	sst s1  }
0xa: {  	[smem:$0x3FAD] =	sst s2  }
0xb: {  	[smem:$0x3FAE] =	sst s3  }
0xc: {  	[smem:$0x3FAF] =	sst s4  }
0xd: {  	[smem:$0x3FB0] =	sst s5  }
0xe: {  	[smem:$0x3FB1] =	sst s6  }
0xf: {  	[smem:$0x3FB2] =	sst s7  }
0x10: {  	[smem:$0x3FB3] =	sst s8  }
0x11: {  	[smem:$0x3FB4] =	sst s9;
	s0 =	simm.s32 @!p0 $0x0  }
0x12: {  	s1 =	sld [smem:$0x3F9A];
	s0 =	simm.s32 @p0 $0x1  }
0x13: {  	[smem:$0x3FB5] =	sst s0;
	s0 =	simm.s32 @!p1 $0x0  }
0x14: {  	s2 =	sld [smem:$0x3F99];
	s0 =	simm.s32 @p1 $0x1  }
0x15: {  	[smem:$0x3FB6] =	sst s0;
	s0 =	simm.s32 @!p2 $0x0  }
0x16: {  	s3 =	sld [smem:$0x3FDB];
	s0 =	simm.s32 @p2 $0x1  }
0x17: {  	s4 =	simm.s32 $0x1BF5;
	[smem:$0x3FB8] =	sst s0  }
0x18: {  	s0 =	sld [smem:$0x3F9B];
	_ =	swait.ge [sflag:s4], $0x0  }
0x19: {  	s7 =	sld [smem:$0x3F9C]  }
0x1a: {  	s8 =	sadd.s32 $0xFFFFE003, lr  }
0x1b: {  	s9 =	sadd.s32 $0xFFFFFEF7, lr;
	s5 =	simm.s32 $0xFFFFFFFF;
	p2 =	slt.u32 s8, $0xFFFFF086  }
0x1c: {  	p1 =	slt.u32 s9, $0xF7A;
	s5 =	simm.s32 @!p2 $0x0  }
0x1d: {  	s5 =	simm.s32 @p1 $0x1;
	p0 =	seq.s32 s7, s2  }
0x1e: {  	s7 =	smul.u32 @!p0 $0xF7A, s2;
	p2 =	seq.s32 @!p0 s5, $0x0  }
0x1f: {  	s9 =	smul.u32 $0xF7A, s1;
	s8 =	simm.s32 @!p0 $0x1BF5;
	p2 =	por !p2, p0  }
0x20: {  	[sflag:s8] =	ssyncset.s32 @!p0 $0xFFFFF086;
	s6 =	sadd.s32 @!p0 s3, s7;
	s7 =	simm.s32 @!p0 $0x108  }
0x21: {  	s3 =	sadd.s32 s3, s9;
	s6 =	sadd.s32 @!p0 $0x88, s6;
	s7 =	simm.s32 @p2 $0x1082  }
0x22: {  	[simem:s7], [sflag:s8] =	dma.local @!p0 [hbm:s6], $0xF7A  }
0x23: {  	s9 =	sor.u32 $0xD0000000, s2;
	s6 =	simm.s32 $0x108;
	_ =	swait.ge @!p0 [sflag:s8], $0x0  }
0x24: {  	s3 =	sadd.s32 $0x88, s3;
	s6 =	simm.s32 @!p1 $0x1082;
	[sflag:s4] =	ssyncset.s32 $0xFFFFF086  }
0x25: {  	[simem:s6], [sflag:s4] =	dma.local [hbm:s3], $0xF7A  }
0x26: {  	[smem:$0x3F9C] =	sst s1;
	(tag) =	ssettag s2;
	_ =	strace s9  }
0x27: {  	s1 =	sld [smem:$0x3FAC]  }
0x28: {  	s2 =	sld [smem:$0x3FAD]  }
0x29: {  	s4 =	sld [smem:$0x3FAF]  }
0x2a: {  	p0 =	seq.s32 s5, $0x0;
	s5 =	sld [smem:$0x3FB0]  }
0x2b: {  	s6 =	sld [smem:$0x3FB1]  }
0x2c: {  	s7 =	sld [smem:$0x3FB2]  }
0x2d: {  	s3 =	simm.s32 $0x108;
	s8 =	sld [smem:$0x3FB3]  }
0x2e: {  	s3 =	simm.s32 @!p0 $0x1082;
	s9 =	sld [smem:$0x3FB4]  }
0x2f: {  	lr =	sadd.s32 s0, s3;
	s0 =	sld [smem:$0x3FAB]  }
0x30: {  	s3 =	sld [smem:$0x3FAE]  }
0x31: {  	[smem:$0x3FB7] =	sst s10  }
0x32: {  	s10 =	sld [smem:$0x3FB5];
	_ =	sdelay $0x3  }
0x33: {  	p0 =	seq.s32 s10, $0x1;
	s10 =	sld [smem:$0x3FB7];
	_ =	sdelay $0x3  }
0x34: {  	[smem:$0x3FB7] =	sst s10  }
0x35: {  	s10 =	sld [smem:$0x3FB6];
	_ =	sdelay $0x3  }
0x36: {  	p1 =	seq.s32 s10, $0x1;
	s10 =	sld [smem:$0x3FB7];
	_ =	sdelay $0x3  }
0x37: {  	[smem:$0x3FB7] =	sst s10  }
0x38: {  	s10 =	sld [smem:$0x3FB8]  }
0x39: {  	_ = 	snop;
	(pc) =	sbr.ind lr, $3  }
0x3a: {  	_ = 	snop  }
0x3b: {  	_ = 	snop  }
0x3c: {  	p2 =	seq.s32 s10, $0x1;
	s10 =	sld [smem:$0x3FB7]  }
0x3d: {  	_ =	shalt  }
0x3e: {  	_ =	shalt  }
0x3f: {  	_ =	shalt  }
0x40: {  	_ =	shalt  }
0x41: {  	_ =	shalt  }
0x42: {  	_ =	shalt  }
0x43: {  	_ =	shalt  }
0x44: {  	_ =	shalt  }
0x45: {  	_ =	shalt  }
0x46: {  	_ =	shalt  }
0x47: {  	_ =	shalt  }
0x48: {  	_ =	shalt  }
0x49: {  	_ =	shalt  }
0x4a: {  	_ =	shalt  }
0x4b: {  	_ =	shalt  }
0x4c: {  	_ =	shalt  }
0x4d: {  	_ =	shalt  }
0x4e: {  	_ =	shalt  }
0x4f: {  	_ =	shalt  }
0x50: {  	_ =	shalt  }
0x51: {  	_ =	shalt  }
0x52: {  	_ =	shalt  }
0x53: {  	_ =	shalt  }
0x54: {  	_ =	shalt  }
0x55: {  	_ =	shalt  }
0x56: {  	_ =	shalt  }
0x57: {  	_ =	shalt  }
0x58: {  	_ =	shalt  }
0x59: {  	_ =	shalt  }
0x5a: {  	_ =	shalt  }
0x5b: {  	_ =	shalt  }
0x5c: {  	_ =	shalt  }
0x5d: {  	_ =	shalt  }
0x5e: {  	_ =	shalt  }
0x5f: {  	_ =	shalt  }
0x60: {  	_ =	shalt  }
0x61: {  	_ =	shalt  }
0x62: {  	_ =	shalt  }
0x63: {  	_ =	shalt  }
0x64: {  	_ =	shalt  }
0x65: {  	_ =	shalt  }
0x66: {  	_ =	shalt  }
0x67: {  	_ =	shalt  }
0x68: {  	_ =	shalt  }
0x69: {  	_ =	shalt  }
0x6a: {  	_ =	shalt  }
0x6b: {  	_ =	shalt  }
0x6c: {  	_ =	shalt  }
0x6d: {  	_ =	shalt  }
0x6e: {  	_ =	shalt  }
0x6f: {  	_ =	shalt  }
0x70: {  	_ =	shalt  }
0x71: {  	_ =	shalt  }
0x72: {  	_ =	shalt  }
0x73: {  	_ =	shalt  }
0x74: {  	_ =	shalt  }
0x75: {  	_ =	shalt  }
0x76: {  	_ =	shalt  }
0x77: {  	_ =	shalt  }
0x78: {  	_ =	shalt  }
0x79: {  	_ =	shalt  }
0x7a: {  	_ =	shalt  }
0x7b: {  	_ =	shalt  }
0x7c: {  	_ =	shalt  }
0x7d: {  	_ =	shalt  }
0x7e: {  	_ =	shalt  }
0x7f: {  	_ =	shalt  }
0x80: {  	_ =	shalt  }
0x81: {  	_ =	shalt  }
0x82: {  	_ =	shalt  }
0x83: {  	_ =	shalt  }
0x84: {  	_ =	shalt  }
0x85: {  	_ =	shalt  }
0x86: {  	_ =	shalt  }
0x87: {  	_ =	shalt  }
.Lfunc_end0:
.L_simem_size_0:
called_computation.1_lowered:
.L_overlay_start_0:
0x88: {  	s2 =	sld [smem:$0x3FD9]  }
0x89: {  	s3 =	sld [smem:$0x3FFE];
	_ =	sdelay $0x1  }
0x8a: {  	s1 =	srdreg.scid  }
0x8b: {  	s0 =	sand.u32 $0x1, s1  }
0x8c: {  	s17 =	sshll.u32 s0, $0xA;
	s2 =	sadd.s32 s3, s2  }
0x8d: {  	s2 =	sadd.s32 s2, s17  }
0x8e: {  	[smem:$0x3FC3] =	sst s2  }
0x8f: {  	_ = 	snop  }
0x90: {  	s2 =	sld [smem:$0x3FC6];
	(tm) =	ssettm $0x1  }
0x91: {  	s18 =	sld [smem:$0x3FFB];
	_ =	sdelay $0x3  }
0x92: {  	_ =	strace s18  }
0x93: {  	s3 =	sld [smem:$0x3FFC];
	_ =	sdelay $0x3  }
0x94: {  	_ =	strace s3  }
0x95: {  	s3 =	sld [smem:$0x3FFD];
	_ =	sdelay $0x3  }
0x96: {  	_ =	strace s3  }
0x97: {  	_ =	strace $0x8FFFFFFF  }
0x98: {  	s19 =	sld [smem:$0x3FDB];
	_ =	sdelay $0x1  }
0x99: {  	s4 =	simm.s32 $_scs_section_size  }
0x9a: {  	s5 =	simm.s32 $_size__tile_overlayer_lowered;
	s6 =	simm.s32 $_tile_overlayer_lowered  }
0x9b: {  	s22 =	simm.s32 $0x1BFF;
	s21 =	sshll.u32 s6, $0x1;
	s3 =	sadd.s32 s4, s19  }
0x9c: {  	s7 =	simm.s32 $0x0;
	s20 =	sshll.u32 s5, $0x1;
	s5 =	sadd.s32 s21, s3  }
0x9d: {  	[timem:s7], [sflag:s22] =	dma.local [hbm:s5], s20  }
0x9e: {  	_ =	swait.ge [sflag:s22], s20  }
0x9f: {  	s4 =	ssub.s32 $0x0, s20;
	[sflag:s22] =	ssyncset.done $0x0  }
0xa0: {  	[sflag:s22] =	ssyncadd.s32 s4;
	_ =	sdelay $0x1  }
0xa1: {  	s23 =	simm.s32 $0x1B8B  }
0xa2: {  	_ =	swait.ge [sflag:s23], $0x1  }
0xa3: {  	[sflag:s23] =	ssyncset.done $0x0  }
0xa4: {  	s25 =	simm.s32 $0x1B8E;
	s24 =	sld [smem:$0x3FFE];
	[sflag:s23] =	ssyncadd.s32 $0xFFFFFFFF  }
0xa5: {  	s26 =	simm.s32 $execute0_lowered;
	[smem:$0x3FD2] =	sst s25  }
0xa6: {  	s5 =	sshll.u32 s26, $0x1;
	_ =	strace $0x80000049;
	[dreg:$0x1] =	wrdreg $0xFFFFFFFF  }
0xa7: {  	s28 =	simm.s32 $_size_execute0_lowered;
	s3 =	sadd.s32 s3, s5;
	[dreg:$0x0] =	wrdreg $0x0  }
0xa8: {  	s5 =	sshll.u32 s28, $0x1;
	[dreg:$0x2] =	wrdreg s3  }
0xa9: {  	[dreg:$0x3] =	wrdreg s5  }
0xaa: {  	[dreg:$0x4] =	wrdreg $0xC0  }
0xab: {  	_ =	task [dreg:s7], $0x5FFFF  }
0xac: {  	[dreg:$0x1] =	wrdreg $0xFFFFFFFF  }
0xad: {  	[dreg:$0x0] =	wrdreg $0x60  }
0xae: {  	[dreg:$0x2] =	wrdreg s24  }
0xaf: {  	[dreg:$0x3] =	wrdreg s2  }
0xb0: {  	[dreg:$0x4] =	wrdreg $0x9  }
0xb1: {  	_ =	task.clear_ibuf [dreg:s7], $0x5FFFF;
	_ =	strace $0x90000049  }
0xb2: {  	s29 =	simm.s32 $0x9;
	_ =	strace $0x8000004B  }
0xb3: {  	_ =	swait.ge [sflag:s29], $0x1  }
0xb4: {  	[sflag:s29] =	ssyncadd.s32 $0xFFFFFFFF  }
0xb5: {  	_ =	strace $0x9000004B  }
0xb6: {  	_ =	sfence  }
0xb7: {  	s30 =	sld [smem:$0x0];
	_ =	sdelay $0x2  }
0xb8: {  	s31 =	sshll.u32 s1, $0xD;
	s1 =	sshrl.u32 s1, $0x2  }
0xb9: {  	s3 =	sand.u32 $0x4000, s31;
	s1 =	sadd.s32 s1, s30  }
0xba: {  	s0 =	sor.u32 s3, s0;
	s1 =	sshll.u32 s1, $0x11  }
0xbb: {  	s0 =	sor.u32 s1, s0  }
0xbc: {  	s0 =	sadd.s32 $0x8F2B, s0  }
0xbd: {  	[sflag:s0] =	ssyncadd.remote.s32 $0x1  }
0xbe: {  	_ =	sfence.sel $0xFFFF  }
0xbf: {  	[dreg:$0x0] =	wrdreg $0xFFFFFFFF;
	(pc) =	sbr.abs _section_cstart, $3  }
0xc0: {  	[dreg:$0x1] =	wrdreg $0xFFFFFFFF  }
0xc1: {  	_ =	task.clear_ibuf [dreg:s7], $0x2FFFF;
	_ =	strace $0x9FFFFFFF  }
0xc2: {  	(tm) =	ssettm $0x7FFFFFFF  }
0xc3: {  	_ =	shalt  }
tec
execute0_lowered:
.L_overlay_start_1:
0x0: {  	(tag) =	ssettag $0x1  }
0x1: {  	s0 =	rddreg [dreg:$0x0]  }
0x2: {  	s3 =	simm.s32 $0x0;
	s1 =	srdreg.scid;
	s9 =	stileid.u32  }
0x3: {  	s18 =	simm.s32 $0x1;
	s21 =	simm.s32 $0x11210;
	[smem:$0x7FF] =	sst s3  }
0x4: {  	s1 =	sand.u32 $0x1, s1;
	s4 =	sadd.s32 $0x840C00, s0;
	s6 =	sadd.s32 $0x800C00, s0  }
0x5: {  	s2 =	sshll.u32 s9, $0x6;
	s29 =	sshll.u32 s9, $0x11;
	_ =	strace $0x8000004A  }
0x6: {  	s5 =	sshll.u32 s1, $0x5;
	s24 =	ssub.s32 $0x2, s1;
	s1 =	sshll.u32 s1, $0x10  }
0x7: {  	s5 =	sor.u32 s5, s2;
	s8 =	sshrl.u32 s24, $0x1;
	s31 =	sor.u32 s1, s29  }
0x8: {  	s7 =	sshrl.u32 s5, $0x3;
	s2 =	ssub.s32 s24, s8;
	s25 =	sshll.u32 s5, $0x8  }
0x9: {  	[dreg:$0x8] =	wrdreg s31;
	s0 =	sadd.s32 s7, s0;
	s7 =	sadd.s32 s6, s25  }
0xa: {  	s22 =	simm.s32 $0x2;
	s30 =	smax.u32 s2, $0x1;
	[dreg:$0x5] =	wrdreg s7  }
0xb: {  	s23 =	simm.s32 $0x13270;
	s26 =	sadd.s32 $0x1040C00, s0;
	[dreg:$0x7] =	wrdreg s30  }
0xc: {  	s1 =	simm.s32 $0x3;
	s28 =	sadd.s32 $0x1040E00, s0;
	[dreg:$0x3] =	wrdreg s26  }
0xd: {  	vm0 =	vmxor vm0, vm0;
	s10 =	sor.u32 $0x1F, s5;
	s0 =	sadd.s32 $0xC00, s0;
	[dreg:$0x4] =	wrdreg s28  }
0xe: {  	v0 =	vlaneseq.u32;
	v1 =	vimm.s32 $0x0;
	v2 =	vimm.f32 $0.0e+00;
	s24 =	simm.s32 $0x13670;
	s2 =	simm.s32 $0x0;
	[dreg:$0x6] =	wrdreg s0  }
.LBB2_1:
0xf: {  	[dreg:$0x9] =	wrdreg s2  }
0x10: {  	s0 =	rddreg [dreg:$0x1]  }
0x11: {  	[tilespmem:s3], [sflag:$0x3] =	stream.linear.gather [hbm4b:s0+s3], $0x10000, $0x38;
	[tilespmem:$0x13690] =	vst v63  }
0x12: {  	_ =	swait.ge [sflag:s1], $0x10000  }
0x13: {  	[sflag:s1] =	ssyncset.done $0x0  }
0x14: {  	s25 =	simm.s32 $0x13210;
	s20 =	rddreg [dreg:$0x3];
	[sflag:s1] =	ssyncadd.s32 $0xFFFF0000  }
0x15: {  	[tilespmem:s25], [sflag:$0x3] =	stream.linear.gather [hbm4b:s20+s3], $0x20, $0x38;
	[tilespmem:$0x13690] =	vst v63  }
0x16: {  	_ =	swait.ge [sflag:s1], $0x20  }
0x17: {  	[sflag:s1] =	ssyncset.done $0x0  }
0x18: {  	s29 =	simm.s32 $0x13240;
	s26 =	rddreg [dreg:$0x4];
	[sflag:s1] =	ssyncadd.s32 $0xFFFFFFE0  }
0x19: {  	[tilespmem:s29], [sflag:$0x3] =	stream.linear.gather [hbm4b:s26+s3], $0x20, $0x38;
	[tilespmem:$0x13690] =	vst v63  }
0x1a: {  	s31 =	simm.s32 $0x10000;
	_ =	swait.ge [sflag:s1], $0x20  }
0x1b: {  	p0 =	por $0x0, $0x0;
	[sflag:s1] =	ssyncset.done $0x0;
	s30 =	rddreg [dreg:$0x5]  }
0x1c: {  	s28 =	simm.s32 $0x0;
	s26 =	rddreg [dreg:$0x8];
	[sflag:s1] =	ssyncadd.s32 $0xFFFFFFE0  }
0x1d: {  	[tilespmem:s31], [sflag:$0x1] =	stream.linear.gather [hbm4b:s30+s3], $0x800, $0x38;
	[tilespmem:$0x13690] =	vst v63  }
.LBB2_2:
0x1e: {  	v4 =	vld [tilespmem:s28+$0x13240];
	s0 =	simm.s32 $0x1  }
0x1f: {  	v3 =	vld.msk [tilespmem:s28+$0x13210 ss:$0x0], $0xffff;
	_ =	swait.ge [sflag:s18], $0x800;
	s0 =	simm.s32 @!p0 $0x0  }
0x20: {  	[sflag:s18] =	ssyncset.done $0x0;
	s0 =	sshll.u32 s0, $0xB  }
0x21: {  	[sflag:s18] =	ssyncadd.s32 $0xFFFFF800;
	s0 =	sor.u32 $0x10040, s0  }
0x22: {  	v5 =	vld [tilespmem:s0+$0xFFFFFFC0];
	_ =	sdelay $0x3  }
0x23: {  	p1 =	por $0x1, $0x1;
	vm1 =	vmmov vm0  }
0x24: {  	vm1 =	vmneg @p1 vm1;
	vm2 =	vge.f32 v5, v3  }
0x25: {  	vm1 =	vmand vm1, vm2  }
0x26: {  	v5 =	vsel vm1, $0x1, v1  }
0x27: {  	(xrf0) =	vadd.scan.msk.s32 $0xffff, v5;
	_ =	sdelay $0x5  }
0x28: {  	v5, _, _ =	vpop (xrf0)  }
0x29: {  	(v2sf) =	vpush v5, $0xF;
	_ =	sdelay $0x8  }
0x2a: {  	s2 =	simm.s32 $0x0;
	s1 =	sadd.s32 $0x0, s26  }
0x2b: {  	s2 =	simm.s32 @!p1 $0xF0;
	v5 =	vor.u32 s1, v0  }
0x2c: {  	[tilespmem:s2+$0x11000] =	vst.msk vm1, v5  }
0x2d: {  	[tilespmem:s2+$0x11110] =	vst.msk vm1, v5  }
0x2e: {  	v5 =	vld [tilespmem:s0+$0xFFFFFFD0];
	_ =	sdelay $0x1  }
0x2f: {  	s8 =	spop (v2sf)  }
0x30: {  	s2 =	sadd.s32 $0x0, s8  }
0x31: {  	vm1 =	vmmov vm0;
	p1 =	slt.s32 s2, $0xF0  }
0x32: {  	vm2 =	vge.f32 v5, v3;
	vm1 =	vmneg @p1 vm1  }
0x33: {  	vm1 =	vmand vm2, vm1  }
0x34: {  	v5 =	vsel vm1, $0x1, v1  }
0x35: {  	(xrf0) =	vadd.scan.msk.s32 $0xffff, v5;
	_ =	sdelay $0x5  }
0x36: {  	v5, _, _ =	vpop (xrf0)  }
0x37: {  	(v2sf) =	vpush v5, $0xF;
	_ =	sdelay $0x8  }
0x38: {  	s7 =	sadd.s32 $0x10, s1;
	s8 =	smov.u32 s2  }
0x39: {  	s8 =	simm.s32 @!p1 $0xF0;
	v5 =	vor.u32 s7, v0  }
0x3a: {  	[tilespmem:s8+$0x11000] =	vst.msk vm1, v5  }
0x3b: {  	[tilespmem:s8+$0x11110] =	vst.msk vm1, v5  }
0x3c: {  	v5 =	vld [tilespmem:s0+$0xFFFFFFE0];
	_ =	sdelay $0x1  }
0x3d: {  	s9 =	spop (v2sf)  }
0x3e: {  	s2 =	sadd.s32 s2, s9  }
0x3f: {  	vm1 =	vmmov vm0;
	p1 =	slt.s32 s2, $0xF0  }
0x40: {  	vm2 =	vge.f32 v5, v3;
	vm1 =	vmneg @p1 vm1  }
0x41: {  	vm1 =	vmand vm2, vm1  }
0x42: {  	v5 =	vsel vm1, $0x1, v1  }
0x43: {  	(xrf0) =	vadd.scan.msk.s32 $0xffff, v5;
	_ =	sdelay $0x5  }
0x44: {  	v5, _, _ =	vpop (xrf0)  }
0x45: {  	(v2sf) =	vpush v5, $0xF;
	_ =	sdelay $0x8  }
0x46: {  	s11 =	sadd.s32 $0x20, s1;
	s8 =	smov.u32 s2  }
0x47: {  	s8 =	simm.s32 @!p1 $0xF0;
	v5 =	vor.u32 s11, v0  }
0x48: {  	[tilespmem:s8+$0x11000] =	vst.msk vm1, v5  }
0x49: {  	[tilespmem:s8+$0x11110] =	vst.msk vm1, v5  }
0x4a: {  	v5 =	vld [tilespmem:s0+$0xFFFFFFF0];
	_ =	sdelay $0x1  }
0x4b: {  	s12 =	spop (v2sf)  }
0x4c: {  	s2 =	sadd.s32 s2, s12  }
0x4d: {  	vm1 =	vmmov vm0;
	p1 =	slt.s32 s2, $0xF0  }
0x4e: {  	vm2 =	vge.f32 v5, v3;
	vm1 =	vmneg @p1 vm1  }
0x4f: {  	vm1 =	vmand vm2, vm1  }
0x50: {  	v5 =	vsel vm1, $0x1, v1  }
0x51: {  	(xrf0) =	vadd.scan.msk.s32 $0xffff, v5;
	_ =	sdelay $0x5  }
0x52: {  	v5, _, _ =	vpop (xrf0)  }
0x53: {  	(v2sf) =	vpush v5, $0xF;
	_ =	sdelay $0x8  }
0x54: {  	s13 =	sadd.s32 $0x30, s1;
	s8 =	smov.u32 s2  }
0x55: {  	s8 =	simm.s32 @!p1 $0xF0;
	v5 =	vor.u32 s13, v0  }
0x56: {  	[tilespmem:s8+$0x11000] =	vst.msk vm1, v5  }
0x57: {  	[tilespmem:s8+$0x11110] =	vst.msk vm1, v5  }
0x58: {  	v5 =	vld [tilespmem:s0+$0x0];
	_ =	sdelay $0x1  }
0x59: {  	s14 =	spop (v2sf)  }
0x5a: {  	s2 =	sadd.s32 s2, s14  }
0x5b: {  	vm1 =	vmmov vm0;
	p1 =	slt.s32 s2, $0xF0  }
0x5c: {  	vm2 =	vge.f32 v5, v3;
	vm1 =	vmneg @p1 vm1  }
0x5d: {  	vm1 =	vmand vm2, vm1  }
0x5e: {  	v5 =	vsel vm1, $0x1, v1  }
0x5f: {  	(xrf0) =	vadd.scan.msk.s32 $0xffff, v5;
	_ =	sdelay $0x5  }
0x60: {  	v5, _, _ =	vpop (xrf0)  }
0x61: {  	(v2sf) =	vpush v5, $0xF;
	_ =	sdelay $0x8  }
0x62: {  	s15 =	sadd.s32 $0x40, s1;
	s8 =	smov.u32 s2  }
0x63: {  	s8 =	simm.s32 @!p1 $0xF0;
	v5 =	vor.u32 s15, v0  }
0x64: {  	[tilespmem:s8+$0x11000] =	vst.msk vm1, v5  }
0x65: {  	[tilespmem:s8+$0x11110] =	vst.msk vm1, v5  }
0x66: {  	v5 =	vld [tilespmem:s0+$0x10];
	_ =	sdelay $0x1  }
0x67: {  	s16 =	spop (v2sf)  }
0x68: {  	s2 =	sadd.s32 s2, s16  }
0x69: {  	vm1 =	vmmov vm0;
	p1 =	slt.s32 s2, $0xF0  }
0x6a: {  	vm2 =	vge.f32 v5, v3;
	vm1 =	vmneg @p1 vm1  }
0x6b: {  	vm1 =	vmand vm2, vm1  }
0x6c: {  	v5 =	vsel vm1, $0x1, v1  }
0x6d: {  	(xrf0) =	vadd.scan.msk.s32 $0xffff, v5;
	_ =	sdelay $0x5  }
0x6e: {  	v5, _, _ =	vpop (xrf0)  }
0x6f: {  	(v2sf) =	vpush v5, $0xF;
	_ =	sdelay $0x8  }
0x70: {  	s17 =	sadd.s32 $0x50, s1;
	s8 =	smov.u32 s2  }
0x71: {  	s8 =	simm.s32 @!p1 $0xF0;
	v5 =	vor.u32 s17, v0  }
0x72: {  	[tilespmem:s8+$0x11000] =	vst.msk vm1, v5  }
0x73: {  	[tilespmem:s8+$0x11110] =	vst.msk vm1, v5  }
0x74: {  	v5 =	vld [tilespmem:s0+$0x20];
	_ =	sdelay $0x1  }
0x75: {  	s19 =	spop (v2sf)  }
0x76: {  	s2 =	sadd.s32 s2, s19  }
0x77: {  	vm1 =	vmmov vm0;
	p1 =	slt.s32 s2, $0xF0  }
0x78: {  	vm2 =	vge.f32 v5, v3;
	vm1 =	vmneg @p1 vm1  }
0x79: {  	vm1 =	vmand vm2, vm1  }
0x7a: {  	v5 =	vsel vm1, $0x1, v1  }
0x7b: {  	(xrf0) =	vadd.scan.msk.s32 $0xffff, v5;
	_ =	sdelay $0x5  }
0x7c: {  	v5, _, _ =	vpop (xrf0)  }
0x7d: {  	(v2sf) =	vpush v5, $0xF;
	_ =	sdelay $0x8  }
0x7e: {  	s20 =	sadd.s32 $0x60, s1;
	s8 =	smov.u32 s2  }
0x7f: {  	s8 =	simm.s32 @!p1 $0xF0;
	v5 =	vor.u32 s20, v0  }
0x80: {  	[tilespmem:s8+$0x11000] =	vst.msk vm1, v5  }
0x81: {  	[tilespmem:s8+$0x11110] =	vst.msk vm1, v5  }
0x82: {  	v5 =	vld [tilespmem:s0+$0x30];
	_ =	sdelay $0x1  }
0x83: {  	s25 =	spop (v2sf)  }
0x84: {  	s7 =	sadd.s32 s2, s25  }
0x85: {  	vm1 =	vmmov vm0;
	p1 =	slt.s32 s7, $0xF0  }
0x86: {  	vm2 =	vge.f32 v5, v3;
	vm1 =	vmneg @p1 vm1  }
0x87: {  	vm1 =	vmand vm2, vm1  }
0x88: {  	v5 =	vsel vm1, $0x1, v1  }
0x89: {  	(xrf0) =	vadd.scan.msk.s32 $0xffff, v5;
	_ =	sdelay $0x5  }
0x8a: {  	v5, _, _ =	vpop (xrf0)  }
0x8b: {  	(v2sf) =	vpush v5, $0xF;
	_ =	sdelay $0x9  }
0x8c: {  	s1 =	sadd.s32 $0x70, s1;
	s2 =	smov.u32 s7  }
0x8d: {  	s2 =	simm.s32 @!p1 $0xF0;
	v5 =	vor.u32 s1, v0  }
0x8e: {  	[tilespmem:s2+$0x11000] =	vst.msk vm1, v5  }
0x8f: {  	s31 =	sor.u32 s5, s28;
	s0 =	sadd.s32 $0x80, s0;
	[tilespmem:s2+$0x11110] =	vst.msk vm1, v5  }
0x90: {  	s30 =	sand.u32 $0x1, s28;
	s29 =	sshll.u32 s31, $0xB;
	v5 =	vld [tilespmem:s0+$0xFFFFFFC0]  }
0x91: {  	s1 =	simm.s32 $0x100;
	s2 =	simm.s32 $0x80;
	s8 =	spop (v2sf)  }
.LBB2_3:
0x92: {  	p1 =	sne.s32 s1, $0x780  }
0x93: {  	s11 =	sadd.s32 s7, s8;
	s7 =	smov.u32 s1;
	s1 =	sadd.s32 $0x80, s1  }
0x94: {  	vm2 =	vmmov vm0;
	p2 =	slt.s32 s11, $0xF0  }
0x95: {  	s12 =	sadd.s32 s2, s26;
	s2 =	smov.u32 s7;
	s15 =	smov.u32 s11;
	vm1 =	vge.f32 v5, v3;
	vm2 =	vmneg @p2 vm2  }
0x96: {  	s13 =	sadd.s32 $0x10, s12;
	s9 =	sadd.s32 $0x20, s12;
	v5 =	vor.u32 s12, v0;
	s15 =	simm.s32 @!p2 $0xF0;
	vm1 =	vmand vm2, vm1  }
0x97: {  	s8 =	sadd.s32 $0x30, s12;
	s7 =	sadd.s32 $0x40, s12;
	s17 =	sadd.s32 $0x50, s12;
	[tilespmem:s15+$0x11000] =	vst.msk vm1, v5;
	v6 =	vsel vm1, $0x1, v1  }
0x98: {  	s16 =	sadd.s32 $0x60, s12;
	[tilespmem:s15+$0x11110] =	vst.msk vm1, v5;
	s15 =	sadd.s32 $0x70, s12;
	(xrf0) =	vadd.scan.msk.s32 $0xffff, v6  }
0x99: {  	v5 =	vld [tilespmem:s0+$0xFFFFFFD0];
	_ =	sdelay $0x4  }
0x9a: {  	v6, _, _ =	vpop (xrf0)  }
0x9b: {  	(v2sf) =	vpush v6, $0xF;
	_ =	sdelay $0xe  }
0x9c: {  	s12 =	spop (v2sf)  }
0x9d: {  	s11 =	sadd.s32 s11, s12  }
0x9e: {  	vm2 =	vmmov vm0;
	p2 =	slt.s32 s11, $0xF0  }
0x9f: {  	vm1 =	vge.f32 v5, v3;
	s12 =	smov.u32 s11;
	vm2 =	vmneg @p2 vm2  }
0xa0: {  	v5 =	vor.u32 s13, v0;
	s12 =	simm.s32 @!p2 $0xF0;
	vm1 =	vmand vm1, vm2  }
0xa1: {  	[tilespmem:s12+$0x11000] =	vst.msk vm1, v5;
	v6 =	vsel vm1, $0x1, v1  }
0xa2: {  	[tilespmem:s12+$0x11110] =	vst.msk vm1, v5;
	(xrf0) =	vadd.scan.msk.s32 $0xffff, v6  }
0xa3: {  	v5 =	vld [tilespmem:s0+$0xFFFFFFE0];
	_ =	sdelay $0x4  }
0xa4: {  	v6, _, _ =	vpop (xrf0)  }
0xa5: {  	(v2sf) =	vpush v6, $0xF;
	_ =	sdelay $0xe  }
0xa6: {  	s12 =	spop (v2sf)  }
0xa7: {  	s11 =	sadd.s32 s11, s12  }
0xa8: {  	vm2 =	vmmov vm0;
	p2 =	slt.s32 s11, $0xF0  }
0xa9: {  	vm1 =	vge.f32 v5, v3;
	v5 =	vor.u32 s9, v0;
	s9 =	smov.u32 s11;
	vm2 =	vmneg @p2 vm2  }
0xaa: {  	s9 =	simm.s32 @!p2 $0xF0;
	vm1 =	vmand vm1, vm2  }
0xab: {  	[tilespmem:s9+$0x11000] =	vst.msk vm1, v5;
	v6 =	vsel vm1, $0x1, v1  }
0xac: {  	[tilespmem:s9+$0x11110] =	vst.msk vm1, v5;
	(xrf0) =	vadd.scan.msk.s32 $0xffff, v6  }
0xad: {  	v5 =	vld [tilespmem:s0+$0xFFFFFFF0];
	_ =	sdelay $0x4  }
0xae: {  	v6, _, _ =	vpop (xrf0)  }
0xaf: {  	(v2sf) =	vpush v6, $0xF;
	_ =	sdelay $0xe  }
0xb0: {  	s9 =	spop (v2sf)  }
0xb1: {  	s9 =	sadd.s32 s11, s9  }
0xb2: {  	vm2 =	vmmov vm0;
	p2 =	slt.s32 s9, $0xF0  }
0xb3: {  	vm1 =	vge.f32 v5, v3;
	v5 =	vor.u32 s8, v0;
	s8 =	smov.u32 s9;
	vm2 =	vmneg @p2 vm2  }
0xb4: {  	s8 =	simm.s32 @!p2 $0xF0;
	vm1 =	vmand vm1, vm2  }
0xb5: {  	[tilespmem:s8+$0x11000] =	vst.msk vm1, v5;
	v6 =	vsel vm1, $0x1, v1  }
0xb6: {  	[tilespmem:s8+$0x11110] =	vst.msk vm1, v5;
	(xrf0) =	vadd.scan.msk.s32 $0xffff, v6  }
0xb7: {  	v5 =	vld [tilespmem:s0+$0x0];
	_ =	sdelay $0x4  }
0xb8: {  	v6, _, _ =	vpop (xrf0)  }
0xb9: {  	(v2sf) =	vpush v6, $0xF;
	_ =	sdelay $0xe  }
0xba: {  	s8 =	spop (v2sf)  }
0xbb: {  	s8 =	sadd.s32 s9, s8  }
0xbc: {  	vm2 =	vmmov vm0;
	p2 =	slt.s32 s8, $0xF0  }
0xbd: {  	vm1 =	vge.f32 v5, v3;
	v5 =	vor.u32 s7, v0;
	s7 =	smov.u32 s8;
	vm2 =	vmneg @p2 vm2  }
0xbe: {  	s7 =	simm.s32 @!p2 $0xF0;
	vm1 =	vmand vm1, vm2  }
0xbf: {  	[tilespmem:s7+$0x11000] =	vst.msk vm1, v5;
	v6 =	vsel vm1, $0x1, v1  }
0xc0: {  	[tilespmem:s7+$0x11110] =	vst.msk vm1, v5;
	(xrf0) =	vadd.scan.msk.s32 $0xffff, v6  }
0xc1: {  	v5 =	vld [tilespmem:s0+$0x10];
	_ =	sdelay $0x4  }
0xc2: {  	v6, _, _ =	vpop (xrf0)  }
0xc3: {  	(v2sf) =	vpush v6, $0xF;
	_ =	sdelay $0xe  }
0xc4: {  	s7 =	spop (v2sf)  }
0xc5: {  	s7 =	sadd.s32 s8, s7  }
0xc6: {  	vm2 =	vmmov vm0;
	p2 =	slt.s32 s7, $0xF0  }
0xc7: {  	vm1 =	vge.f32 v5, v3;
	s8 =	smov.u32 s7;
	vm2 =	vmneg @p2 vm2  }
0xc8: {  	v5 =	vor.u32 s17, v0;
	s8 =	simm.s32 @!p2 $0xF0;
	vm1 =	vmand vm1, vm2  }
0xc9: {  	[tilespmem:s8+$0x11000] =	vst.msk vm1, v5;
	v6 =	vsel vm1, $0x1, v1  }
0xca: {  	[tilespmem:s8+$0x11110] =	vst.msk vm1, v5;
	(xrf0) =	vadd.scan.msk.s32 $0xffff, v6  }
0xcb: {  	v5 =	vld [tilespmem:s0+$0x20];
	_ =	sdelay $0x4  }
0xcc: {  	v6, _, _ =	vpop (xrf0)  }
0xcd: {  	(v2sf) =	vpush v6, $0xF;
	_ =	sdelay $0xe  }
0xce: {  	s8 =	spop (v2sf)  }
0xcf: {  	s7 =	sadd.s32 s7, s8  }
0xd0: {  	vm2 =	vmmov vm0;
	p2 =	slt.s32 s7, $0xF0  }
0xd1: {  	vm1 =	vge.f32 v5, v3;
	s8 =	smov.u32 s7;
	vm2 =	vmneg @p2 vm2  }
0xd2: {  	v5 =	vor.u32 s16, v0;
	s8 =	simm.s32 @!p2 $0xF0;
	vm1 =	vmand vm1, vm2  }
0xd3: {  	[tilespmem:s8+$0x11000] =	vst.msk vm1, v5;
	v6 =	vsel vm1, $0x1, v1  }
0xd4: {  	[tilespmem:s8+$0x11110] =	vst.msk vm1, v5;
	(xrf0) =	vadd.scan.msk.s32 $0xffff, v6  }
0xd5: {  	v5 =	vld [tilespmem:s0+$0x30];
	_ =	sdelay $0x4  }
0xd6: {  	v6, _, _ =	vpop (xrf0)  }
0xd7: {  	(v2sf) =	vpush v6, $0xF;
	_ =	sdelay $0xe  }
0xd8: {  	s8 =	spop (v2sf)  }
0xd9: {  	s7 =	sadd.s32 s7, s8  }
0xda: {  	vm2 =	vmmov vm0;
	p2 =	slt.s32 s7, $0xF0;
	s8 =	smov.u32 s7  }
0xdb: {  	vm1 =	vge.f32 v5, v3;
	vm2 =	vmneg @p2 vm2;
	s8 =	simm.s32 @!p2 $0xF0  }
0xdc: {  	v5 =	vor.u32 s15, v0;
	vm1 =	vmand vm1, vm2  }
0xdd: {  	[tilespmem:s8+$0x11000] =	vst.msk vm1, v5;
	v6 =	vsel vm1, $0x1, v1  }
0xde: {  	[tilespmem:s8+$0x11110] =	vst.msk vm1, v5;
	(xrf0) =	vadd.scan.msk.s32 $0xffff, v6;
	_ =	sdelay $0x5  }
0xdf: {  	v5, _, _ =	vpop (xrf0)  }
0xe0: {  	(v2sf) =	vpush v5, $0xF;
	_ =	sdelay $0xa  }
.Ltmp0:
0xe1: {  	(pc) =	sbr.rel @p1 .LBB2_3-.Ltmp0, $3  }
0xe2: {  	s0 =	sadd.s32 $0x80, s0  }
0xe3: {  	v5 =	vld [tilespmem:s0+$0xFFFFFFC0];
	_ =	sdelay $0x1  }
0xe4: {  	s8 =	spop (v2sf)  }
0xe5: {  	s1 =	sadd.s32 s7, s8  }
0xe6: {  	vm1 =	vmmov vm0;
	p1 =	slt.s32 s1, $0xF0  }
0xe7: {  	vm2 =	vge.f32 v5, v3;
	vm1 =	vmneg @p1 vm1  }
0xe8: {  	vm1 =	vmand vm1, vm2  }
0xe9: {  	v5 =	vsel vm1, $0x1, v1  }
0xea: {  	(xrf0) =	vadd.scan.msk.s32 $0xffff, v5;
	_ =	sdelay $0x5  }
0xeb: {  	v5, _, _ =	vpop (xrf0)  }
0xec: {  	(v2sf) =	vpush v5, $0xF;
	_ =	sdelay $0x8  }
0xed: {  	s7 =	sadd.s32 s2, s26;
	s2 =	smov.u32 s1  }
0xee: {  	s2 =	simm.s32 @!p1 $0xF0;
	v5 =	vor.u32 s7, v0  }
0xef: {  	[tilespmem:s2+$0x11000] =	vst.msk vm1, v5  }
0xf0: {  	[tilespmem:s2+$0x11110] =	vst.msk vm1, v5  }
0xf1: {  	v5 =	vld [tilespmem:s0+$0xFFFFFFD0];
	_ =	sdelay $0x1  }
0xf2: {  	s2 =	spop (v2sf)  }
0xf3: {  	s9 =	sadd.s32 s1, s2  }
0xf4: {  	vm1 =	vmmov vm0;
	p1 =	slt.s32 s9, $0xF0  }
0xf5: {  	vm2 =	vge.f32 v5, v3;
	vm1 =	vmneg @p1 vm1  }
0xf6: {  	vm1 =	vmand vm2, vm1  }
0xf7: {  	v5 =	vsel vm1, $0x1, v1  }
0xf8: {  	(xrf0) =	vadd.scan.msk.s32 $0xffff, v5;
	_ =	sdelay $0x5  }
0xf9: {  	v5, _, _ =	vpop (xrf0)  }
0xfa: {  	(v2sf) =	vpush v5, $0xF;
	_ =	sdelay $0x8  }
0xfb: {  	s20 =	sadd.s32 $0x10, s7;
	s11 =	smov.u32 s9  }
0xfc: {  	s11 =	simm.s32 @!p1 $0xF0;
	v5 =	vor.u32 s20, v0  }
0xfd: {  	[tilespmem:s11+$0x11000] =	vst.msk vm1, v5  }
0xfe: {  	[tilespmem:s11+$0x11110] =	vst.msk vm1, v5  }
0xff: {  	v5 =	vld [tilespmem:s0+$0xFFFFFFE0];
	_ =	sdelay $0x1  }
0x100: {  	s8 =	spop (v2sf)  }
0x101: {  	s9 =	sadd.s32 s9, s8  }
0x102: {  	vm1 =	vmmov vm0;
	p1 =	slt.s32 s9, $0xF0  }
0x103: {  	vm2 =	vge.f32 v5, v3;
	vm1 =	vmneg @p1 vm1  }
0x104: {  	vm1 =	vmand vm2, vm1  }
0x105: {  	v5 =	vsel vm1, $0x1, v1  }
0x106: {  	(xrf0) =	vadd.scan.msk.s32 $0xffff, v5;
	_ =	sdelay $0x5  }
0x107: {  	v5, _, _ =	vpop (xrf0)  }
0x108: {  	(v2sf) =	vpush v5, $0xF;
	_ =	sdelay $0x8  }
0x109: {  	s25 =	sadd.s32 $0x20, s7;
	s12 =	smov.u32 s9  }
0x10a: {  	s12 =	simm.s32 @!p1 $0xF0;
	v5 =	vor.u32 s25, v0  }
0x10b: {  	[tilespmem:s12+$0x11000] =	vst.msk vm1, v5  }
0x10c: {  	[tilespmem:s12+$0x11110] =	vst.msk vm1, v5  }
0x10d: {  	v5 =	vld [tilespmem:s0+$0xFFFFFFF0];
	_ =	sdelay $0x1  }
0x10e: {  	s15 =	spop (v2sf)  }
0x10f: {  	s9 =	sadd.s32 s9, s15  }
0x110: {  	vm1 =	vmmov vm0;
	p1 =	slt.s32 s9, $0xF0  }
0x111: {  	vm2 =	vge.f32 v5, v3;
	vm1 =	vmneg @p1 vm1  }
0x112: {  	vm1 =	vmand vm2, vm1  }
0x113: {  	v5 =	vsel vm1, $0x1, v1  }
0x114: {  	(xrf0) =	vadd.scan.msk.s32 $0xffff, v5;
	_ =	sdelay $0x5  }
0x115: {  	v5, _, _ =	vpop (xrf0)  }
0x116: {  	(v2sf) =	vpush v5, $0xF;
	_ =	sdelay $0x8  }
0x117: {  	s13 =	sadd.s32 $0x30, s7;
	s12 =	smov.u32 s9  }
0x118: {  	s12 =	simm.s32 @!p1 $0xF0;
	v5 =	vor.u32 s13, v0  }
0x119: {  	[tilespmem:s12+$0x11000] =	vst.msk vm1, v5  }
0x11a: {  	[tilespmem:s12+$0x11110] =	vst.msk vm1, v5  }
0x11b: {  	v5 =	vld [tilespmem:s0+$0x0];
	_ =	sdelay $0x1  }
0x11c: {  	s16 =	spop (v2sf)  }
0x11d: {  	s14 =	sadd.s32 s9, s16  }
0x11e: {  	vm1 =	vmmov vm0;
	p1 =	slt.s32 s14, $0xF0  }
0x11f: {  	vm2 =	vge.f32 v5, v3;
	vm1 =	vmneg @p1 vm1  }
0x120: {  	vm1 =	vmand vm2, vm1  }
0x121: {  	v5 =	vsel vm1, $0x1, v1  }
0x122: {  	(xrf0) =	vadd.scan.msk.s32 $0xffff, v5;
	_ =	sdelay $0x5  }
0x123: {  	v5, _, _ =	vpop (xrf0)  }
0x124: {  	(v2sf) =	vpush v5, $0xF;
	_ =	sdelay $0x8  }
0x125: {  	s17 =	sadd.s32 $0x40, s7;
	s12 =	smov.u32 s14  }
0x126: {  	s12 =	simm.s32 @!p1 $0xF0;
	v5 =	vor.u32 s17, v0  }
0x127: {  	[tilespmem:s12+$0x11000] =	vst.msk vm1, v5  }
0x128: {  	[tilespmem:s12+$0x11110] =	vst.msk vm1, v5  }
0x129: {  	v5 =	vld [tilespmem:s0+$0x10];
	_ =	sdelay $0x1  }
0x12a: {  	s9 =	spop (v2sf)  }
0x12b: {  	s11 =	sadd.s32 s14, s9  }
0x12c: {  	vm1 =	vmmov vm0;
	p1 =	slt.s32 s11, $0xF0  }
0x12d: {  	vm2 =	vge.f32 v5, v3;
	vm1 =	vmneg @p1 vm1  }
0x12e: {  	vm1 =	vmand vm2, vm1  }
0x12f: {  	v5 =	vsel vm1, $0x1, v1  }
0x130: {  	(xrf0) =	vadd.scan.msk.s32 $0xffff, v5;
	_ =	sdelay $0x5  }
0x131: {  	v5, _, _ =	vpop (xrf0)  }
0x132: {  	(v2sf) =	vpush v5, $0xF;
	_ =	sdelay $0x8  }
0x133: {  	s19 =	sadd.s32 $0x50, s7;
	s13 =	smov.u32 s11  }
0x134: {  	s13 =	simm.s32 @!p1 $0xF0;
	v5 =	vor.u32 s19, v0  }
0x135: {  	[tilespmem:s13+$0x11000] =	vst.msk vm1, v5  }
0x136: {  	[tilespmem:s13+$0x11110] =	vst.msk vm1, v5  }
0x137: {  	v5 =	vld [tilespmem:s0+$0x20];
	_ =	sdelay $0x1  }
0x138: {  	s17 =	spop (v2sf)  }
0x139: {  	s20 =	sadd.s32 s11, s17  }
0x13a: {  	vm1 =	vmmov vm0;
	p1 =	slt.s32 s20, $0xF0  }
0x13b: {  	vm2 =	vge.f32 v5, v3;
	vm1 =	vmneg @p1 vm1  }
0x13c: {  	vm1 =	vmand vm2, vm1  }
0x13d: {  	v5 =	vsel vm1, $0x1, v1  }
0x13e: {  	(xrf0) =	vadd.scan.msk.s32 $0xffff, v5;
	_ =	sdelay $0x5  }
0x13f: {  	v5, _, _ =	vpop (xrf0)  }
0x140: {  	(v2sf) =	vpush v5, $0xF;
	_ =	sdelay $0x8  }
0x141: {  	s25 =	sadd.s32 $0x60, s7;
	s13 =	smov.u32 s20  }
0x142: {  	s13 =	simm.s32 @!p1 $0xF0;
	v5 =	vor.u32 s25, v0  }
0x143: {  	[tilespmem:s13+$0x11000] =	vst.msk vm1, v5  }
0x144: {  	[tilespmem:s13+$0x11110] =	vst.msk vm1, v5  }
0x145: {  	v5 =	vld [tilespmem:s0+$0x30];
	_ =	sdelay $0x1  }
0x146: {  	s11 =	spop (v2sf)  }
0x147: {  	s13 =	sadd.s32 s20, s11  }
0x148: {  	vm1 =	vmmov vm0;
	p1 =	slt.s32 s13, $0xF0  }
0x149: {  	vm2 =	vge.f32 v5, v3;
	vm1 =	vmneg @p1 vm1  }
0x14a: {  	vm1 =	vmand vm2, vm1  }
0x14b: {  	v5 =	vsel vm1, $0x1, v1  }
0x14c: {  	(xrf0) =	vadd.scan.msk.s32 $0xffff, v5;
	_ =	sdelay $0x5  }
0x14d: {  	v5, _, _ =	vpop (xrf0)  }
0x14e: {  	(v2sf) =	vpush v5, $0xF;
	_ =	sdelay $0xe  }
0x14f: {  	s12 =	spop (v2sf)  }
0x150: {  	s0 =	sadd.s32 s13, s12  }
0x151: {  	s25 =	simm.s32 $0x1;
	s14 =	ssub.s32 $0x10F, s0;
	p2 =	sne.s32 s0, $0x10F  }
0x152: {  	s19 =	sshra.s32 s14, $0x1F;
	s25 =	simm.s32 @!p2 $0x0  }
0x153: {  	s20 =	sand.u32 $0xF, s14;
	s25 =	sor.u32 s25, s19  }
0x154: {  	p3 =	sne.s32 s20, $0x0;
	p6 =	sne.s32 s25, $0x1  }
0x155: {  	s19 =	sshrl.u32 s19, $0x1C;
	p2 =	por !p3, !p6  }
0x156: {  	s14 =	sadd.s32 s19, s14;
	s19 =	simm.s32 $0x1;
	p2 =	por !p2, !p2  }
0x157: {  	s7 =	sadd.s32 $0x70, s7;
	s14 =	sshra.s32 s14, $0x4;
	s19 =	simm.s32 @!p2 $0x0  }
0x158: {  	v5 =	vor.u32 s7, v0;
	s7 =	ssub.s32 s14, s19  }
0x159: {  	s13 =	simm.s32 @!p1 $0xF0;
	p1 =	slt.s32 s7, $0x1  }
.Ltmp1:
0x15a: {  	_ = 	snop;
	(pc) =	sbr.rel @p1 .LBB2_8-.Ltmp1, $3  }
0x15b: {  	_ =	sdelay $0x1  }
0x15c: {  	[tilespmem:s13+$0x11000] =	vst.msk vm1, v5  }
0x15d: {  	[tilespmem:s13+$0x11110] =	vst.msk vm1, v5  }
0x15e: {  	s2 =	sadd.s32 s8, s2  }
0x15f: {  	s2 =	sadd.s32 s15, s2  }
0x160: {  	s2 =	sadd.s32 s16, s2  }
0x161: {  	s2 =	sadd.s32 s9, s2  }
0x162: {  	p1 =	sne.s32 s7, $0x1;
	s2 =	sadd.s32 s17, s2  }
.Ltmp2:
0x163: {  	s2 =	sadd.s32 s11, s2;
	(pc) =	sbr.rel @!p1 .LBB2_7-.Ltmp2, $4  }
0x164: {  	s2 =	sadd.s32 s12, s2  }
0x165: {  	s1 =	sadd.s32 s1, s2  }
0x166: {  	p2 =	slt.s32 s1, $0xF0;
	s8 =	smov.u32 s1  }
0x167: {  	s2 =	sadd.s32 $0xFFFFFFFF, s7;
	s8 =	simm.s32 @!p2 $0xF0  }
.LBB2_6:
0x168: {  	p1 =	sne.s32 s2, $0x1;
	s2 =	sadd.s32 $0xFFFFFFFF, s2;
	[tilespmem:s8+$0x11110] =	vst v1;
	s1 =	sadd.s32 $0x10, s1  }
.Ltmp3:
0x169: {  	(pc) =	sbr.rel @p1 .LBB2_6-.Ltmp3, $3  }
0x16a: {  	_ =	sdelay $0x1  }
0x16b: {  	p2 =	slt.s32 s1, $0xF0;
	s8 =	smov.u32 s1  }
0x16c: {  	s8 =	simm.s32 @!p2 $0xF0  }
.LBB2_7:
0x16d: {  	[tilespmem:s8+$0x11110] =	vst v1  }
.LBB2_8:
0x16e: {  	s1 =	simm.s32 $0x100;
	s2 =	simm.s32 $0x11110  }
0x16f: {  	[tilespmem:s21], [sflag:$0x2] =	stream.indirect.gather [hbm4b:s4+s1], $0x20, s2, s1, $0xb8;
	[tilespmem:$0x13690] =	vst v63  }
0x170: {  	s1 =	sadd.s32 $0x1, s31  }
0x171: {  	s2 =	smov.u32 s10;
	p1 =	slt.s32 s1, s10  }
0x172: {  	s2 =	smov.u32 @p1 s1  }
0x173: {  	s1 =	sshll.u32 s2, $0x8  }
0x174: {  	s31 =	sshll.u32 s30, $0xB;
	s1 =	sand.u32 $0x1FFFFF00, s1  }
0x175: {  	s2 =	sxor.u32 $0x10800, s31;
	s1 =	sadd.s32 s6, s1  }
0x176: {  	[tilespmem:s2], [sflag:$0x1] =	stream.linear.gather [hbm4b:s1+s3], $0x800, $0x38;
	[tilespmem:$0x13690] =	vst v63  }
0x177: {  	[tilespmem:$0x13270] =	vst v2  }
0x178: {  	[tilespmem:$0x13280] =	vst v2  }
0x179: {  	[tilespmem:$0x13290] =	vst v2  }
0x17a: {  	[tilespmem:$0x132A0] =	vst v2  }
0x17b: {  	[tilespmem:$0x132B0] =	vst v2  }
0x17c: {  	[tilespmem:$0x132C0] =	vst v2  }
0x17d: {  	[tilespmem:$0x132D0] =	vst v2  }
0x17e: {  	[tilespmem:$0x132E0] =	vst v2  }
0x17f: {  	[tilespmem:$0x132F0] =	vst v2  }
0x180: {  	[tilespmem:$0x13300] =	vst v2  }
0x181: {  	[tilespmem:$0x13310] =	vst v2  }
0x182: {  	[tilespmem:$0x13320] =	vst v2  }
0x183: {  	[tilespmem:$0x13330] =	vst v2  }
0x184: {  	[tilespmem:$0x13340] =	vst v2  }
0x185: {  	[tilespmem:$0x13350] =	vst v2  }
0x186: {  	[tilespmem:$0x13360] =	vst v2  }
0x187: {  	[tilespmem:$0x13370] =	vst v2  }
0x188: {  	[tilespmem:$0x13380] =	vst v2  }
0x189: {  	[tilespmem:$0x13390] =	vst v2  }
0x18a: {  	[tilespmem:$0x133A0] =	vst v2  }
0x18b: {  	[tilespmem:$0x133B0] =	vst v2  }
0x18c: {  	[tilespmem:$0x133C0] =	vst v2  }
0x18d: {  	[tilespmem:$0x133D0] =	vst v2  }
0x18e: {  	[tilespmem:$0x133E0] =	vst v2  }
0x18f: {  	[tilespmem:$0x133F0] =	vst v2  }
0x190: {  	[tilespmem:$0x13400] =	vst v2  }
0x191: {  	[tilespmem:$0x13410] =	vst v2  }
0x192: {  	[tilespmem:$0x13420] =	vst v2  }
0x193: {  	[tilespmem:$0x13430] =	vst v2  }
0x194: {  	[tilespmem:$0x13440] =	vst v2  }
0x195: {  	[tilespmem:$0x13450] =	vst v2  }
0x196: {  	[tilespmem:$0x13460] =	vst v2  }
0x197: {  	[tilespmem:$0x13470] =	vst v2  }
0x198: {  	[tilespmem:$0x13480] =	vst v2  }
0x199: {  	[tilespmem:$0x13490] =	vst v2  }
0x19a: {  	[tilespmem:$0x134A0] =	vst v2  }
0x19b: {  	[tilespmem:$0x134B0] =	vst v2  }
0x19c: {  	[tilespmem:$0x134C0] =	vst v2  }
0x19d: {  	[tilespmem:$0x134D0] =	vst v2  }
0x19e: {  	[tilespmem:$0x134E0] =	vst v2  }
0x19f: {  	[tilespmem:$0x134F0] =	vst v2  }
0x1a0: {  	[tilespmem:$0x13500] =	vst v2  }
0x1a1: {  	[tilespmem:$0x13510] =	vst v2  }
0x1a2: {  	[tilespmem:$0x13520] =	vst v2  }
0x1a3: {  	[tilespmem:$0x13530] =	vst v2  }
0x1a4: {  	[tilespmem:$0x13540] =	vst v2  }
0x1a5: {  	[tilespmem:$0x13550] =	vst v2  }
0x1a6: {  	[tilespmem:$0x13560] =	vst v2  }
0x1a7: {  	[tilespmem:$0x13570] =	vst v2  }
0x1a8: {  	[tilespmem:$0x13580] =	vst v2  }
0x1a9: {  	[tilespmem:$0x13590] =	vst v2  }
0x1aa: {  	[tilespmem:$0x135A0] =	vst v2  }
0x1ab: {  	[tilespmem:$0x135B0] =	vst v2  }
0x1ac: {  	[tilespmem:$0x135C0] =	vst v2  }
0x1ad: {  	[tilespmem:$0x135D0] =	vst v2  }
0x1ae: {  	[tilespmem:$0x135E0] =	vst v2  }
0x1af: {  	[tilespmem:$0x135F0] =	vst v2  }
0x1b0: {  	[tilespmem:$0x13600] =	vst v2  }
0x1b1: {  	[tilespmem:$0x13610] =	vst v2  }
0x1b2: {  	[tilespmem:$0x13620] =	vst v2  }
0x1b3: {  	[tilespmem:$0x13630] =	vst v2  }
0x1b4: {  	p1 =	slt.s32 s0, $0x1;
	[tilespmem:$0x13640] =	vst v2  }
.Ltmp4:
0x1b5: {  	[tilespmem:$0x13650] =	vst v2;
	(pc) =	sbr.rel @p1 .LBB2_11-.Ltmp4, $4  }
0x1b6: {  	[tilespmem:$0x13660] =	vst v2  }
0x1b7: {  	_ =	swait.ge [sflag:s22], $0x2000  }
0x1b8: {  	[sflag:s22] =	ssyncset.done $0x0  }
0x1b9: {  	[sflag:s22] =	ssyncadd.s32 $0xFFFFE000  }
0x1ba: {  	v4 =	vbroadcast v4, $0x0;
	s1 =	simm.s32 $0x0;
	s2 =	simm.s32 $0x11000;
	s7 =	simm.s32 $0x11220  }
.LBB2_10:
0x1bb: {  	v5 =	vld [tilespmem:s2+$0x0];
	_ =	sdelay $0x4  }
0x1bc: {  	(v2sf) =	vpush v5, $0x0;
	_ =	sdelay $0x9  }
0x1bd: {  	v5 =	vld [tilespmem:s7+$0xFFFFFFF0];
	_ =	sdelay $0x4  }
0x1be: {  	v6 =	vsub.f32 v5, v4;
	s8 =	spop (v2sf)  }
0x1bf: {  	s8 =	ssub.s32 s8, s29  }
0x1c0: {  	v6 =	vmul.f32 $1.428571410e+01, v6;
	s8 =	sshll.u32 s8, $0x5  }
0x1c1: {  	v7 =	vor.u32 s8, v0  }
0x1c2: {  	v6 =	vmul.f32 $1.442695020e+00, v6;
	_ =	sdelay $0x1  }
0x1c3: {  	(erf) = vpow2.f32 v6;
	_ =	sdelay $0x1  }
0x1c4: {  	v6 =	vld.idx.msk [tilespmem:v7+s3+$0x0], $0xffff;
	_ =	sdelay $0x1  }
0x1c5: {  	vm1 =	vge.f32 v5, v3;
	_ =	sdelay $0x4  }
0x1c6: {  	v5 =	vpop (erf)  }
0x1c7: {  	[tilespmem:v6+s23+$0x0] =	vst.idx.add.f32.msk vm1, v5  }
0x1c8: {  	v5 =	vld [tilespmem:s7+$0x0];
	_ =	sdelay $0x4  }
0x1c9: {  	v6 =	vsub.f32 v5, v4;
	_ =	sdelay $0x1  }
0x1ca: {  	s8 =	sor.u32 $0x10, s8;
	v6 =	vmul.f32 $1.428571410e+01, v6  }
0x1cb: {  	v7 =	vor.u32 s8, v0  }
0x1cc: {  	v6 =	vmul.f32 $1.442695020e+00, v6;
	_ =	sdelay $0x1  }
0x1cd: {  	(erf) = vpow2.f32 v6;
	_ =	sdelay $0x1  }
0x1ce: {  	v6 =	vld.idx.msk [tilespmem:v7+s3+$0x0], $0xffff;
	_ =	sdelay $0x1  }
0x1cf: {  	s1 =	sadd.s32 $0x1, s1;
	vm1 =	vge.f32 v5, v3  }
0x1d0: {  	p1 =	slt.s32 s1, s0  }
.Ltmp5:
0x1d1: {  	_ = 	snop;
	(pc) =	sbr.rel @p1 .LBB2_10-.Ltmp5, $3  }
0x1d2: {  	_ =	sdelay $0x1  }
0x1d3: {  	v5 =	vpop (erf)  }
0x1d4: {  	s2 =	sadd.s32 $0x1, s2;
	s7 =	sadd.s32 $0x20, s7;
	[tilespmem:v6+s23+$0x0] =	vst.idx.add.f32.msk vm1, v5  }
.LBB2_11:
0x1d5: {  	s0 =	simm.s32 $0x13270  }
0x1d6: {  	v4 =	vld [tilespmem:s0+$0x0];
	_ =	sdelay $0x3  }
0x1d7: {  	v5 =	vimm.f32 $-1.000000000e+00;
	s1 =	simm.s32 $0x0  }
0x1d8: {  	v3 =	vimm.s32 $0x0;
	s0 =	simm.s32 $0x10;
	v6 =	vor.u32 s1, v0;
	s1 =	simm.s32 $0x13280;
	vm1 =	vgt.f32 v4, v5  }
.LBB2_12:
0x1d9: {  	p1 =	sne.s32 s0, $0x3F0;
	v5 =	vsel vm1, v4, v5;
	v4 =	vld [tilespmem:s1+$0x0];
	v3 =	vsel vm1, v6, v3;
	s2 =	smov.u32 s0;
	s0 =	sadd.s32 $0x10, s0  }
.Ltmp6:
0x1da: {  	(pc) =	sbr.rel @p1 .LBB2_12-.Ltmp6, $2  }
0x1db: {  	_ =	sdelay $0x2  }
0x1dc: {  	s1 =	sadd.s32 $0x10, s1;
	v6 =	vor.u32 s2, v0;
	vm1 =	vgt.f32 v4, v5  }
0x1dd: {  	v4 =	vsel vm1, v4, v5  }
0x1de: {  	(xrf0) =	vmax.scan.msk.f32 $0xffff, v4;
	_ =	sdelay $0x5  }
0x1df: {  	v62, _, _ =	vpop (xrf0)  }
0x1e0: {  	v5 =	vbroadcast v62, $0xF  }
0x1e1: {  	v3 =	vsel vm1, v6, v3  }
0x1e2: {  	v3 =	vxor.u32 $0x80000000, v3;
	vm1 =	veq.f32 v4, v5  }
0x1e3: {  	v3 =	vnsel vm1, $0x80100000, v3  }
0x1e4: {  	(xrf0) =	vmin.scan.msk.u32 $0xffff, v3;
	_ =	sdelay $0x5  }
0x1e5: {  	v3, _, _ =	vpop (xrf0)  }
0x1e6: {  	(v2sf) =	vpush v3, $0xF;
	_ =	sdelay $0xb  }
0x1e7: {  	v3 =	vmov s28;
	s28 =	sadd.s32 $0x1, s28  }
0x1e8: {  	p1 =	sne.s32 s28, $0x20  }
.Ltmp7:
0x1e9: {  	_ = 	snop;
	(pc) =	sbr.rel @p1 .LBB2_2-.Ltmp7, $4  }
0x1ea: {  	s0 =	spop (v2sf)  }
0x1eb: {  	s0 =	sxor.u32 $0x80000000, s0  }
0x1ec: {  	v63 =	vmov s0  }
0x1ed: {  	s26 =	sadd.s32 $0x800, s26;
	p0 =	por !p0, !p0;
	[tilespmem:v3+s24+$0x0] =	vst.idx.msk $0x1, v63  }
0x1ee: {  	_ =	swait.ge [sflag:s18], $0x800  }
0x1ef: {  	[sflag:s18] =	ssyncset.done $0x0  }
0x1f0: {  	s1 =	simm.s32 $0x3;
	s0 =	rddreg [dreg:$0x6];
	[sflag:s18] =	ssyncadd.s32 $0xFFFFF800  }
0x1f1: {  	[hbm4b:s0+s3] =	stream.linear.scatter [tilespmem:s24], [sflag:$0x3], $0x20, $0x38;
	[tilespmem:$0x13690] =	vst v63  }
0x1f2: {  	_ =	swait.ge [sflag:s1], $0x20  }
0x1f3: {  	s2 =	rddreg [dreg:$0x9]  }
0x1f4: {  	s31 =	rddreg [dreg:$0x7];
	s2 =	sadd.s32 $0x1, s2  }
0x1f5: {  	p0 =	sne.s32 s2, s31  }
.Ltmp8:
0x1f6: {  	_ = 	snop;
	(pc) =	sbr.rel @p0 .LBB2_1-.Ltmp8, $3  }
0x1f7: {  	_ =	sdelay $0x1  }
0x1f8: {  	[sflag:s1] =	ssyncset.done $0x0  }
0x1f9: {  	[sflag:s1] =	ssyncadd.s32 $0xFFFFFFE0  }
0x1fa: {  	_ =	sfence.sel $0x180000  }
0x1fb: {  	[bflag:$0x0] =	sbarrier.arrive $0xFFFF  }
0x1fc: {  	_ =	strace $0x9000004A  }
0x1fd: {  	s0 =	stileid.u32;
	[bflag:$0x2] =	sbarrier.arrive $0xFFFF  }
0x1fe: {  	p0 =	sne.s32 s0, $0x0;
	s0 =	rddreg [dreg:$0x2]  }
0x1ff: {  	s0 =	sadd.s32 @!p0 $0x100000, s0  }
0x200: {  	[sflag:s0] =	ssyncadd.tile.s32 @!p0 $0x1;
	_ =	shalt  }
.Lfunc_end2:
_tile_overlayer_lowered:
.L_overlay_start_2:
0x201: {  	(tag) =	ssettag $0x2  }
0x202: {  	s0 =	rddreg [dreg:$0x0];
	s2 =	stileid.u32  }
0x203: {  	s1 =	rddreg [dreg:$0x1];
	p0 =	sne.s32 s2, $0x0  }
0x204: {  	s3 =	rddreg [dreg:$0x2];
	[bflag:$0x3] =	sbarrier.arrive $0xFFFF;
	s2 =	simm.s32 @!p0 $0x1C03  }
0x205: {  	[timem:s3], [sflag:s2] =	dma.local @!p0 [hbm:s0], s1  }
0x206: {  	s0 =	simm.s32 @!p0 $0x3  }
0x207: {  	_ =	swait.ge @!p0 [sflag:s0], s1  }
0x208: {  	s1 =	ssub.s32 @!p0 $0x0, s1;
	[sflag:s0] =	ssyncset.done @!p0 $0x0  }
0x209: {  	[sflag:s0] =	ssyncadd.s32 @!p0 s1  }
0x20a: {  	[bflag:$0x3] =	sbarrier.arrive $0xFFFF  }
0x20b: {  	_ =	shalt  }

// kernel: sparse-core-data-format-call.cloned.1.call-start
scs
called_computation_lowered:
.L_overlay_start_0:
0x0: {  	s1 =	sld [smem:$0x3FD9]  }
0x1: {  	s2 =	sld [smem:$0x3FFE];
	_ =	sdelay $0x1  }
0x2: {  	s3 =	srdreg.scid  }
0x3: {  	s0 =	sand.u32 $0x1, s3  }
0x4: {  	s17 =	sshll.u32 s0, $0xA;
	s1 =	sadd.s32 s2, s1  }
0x5: {  	s1 =	sadd.s32 s1, s17  }
0x6: {  	[smem:$0x3FC3] =	sst s1  }
0x7: {  	_ = 	snop  }
0x8: {  	(tm) =	ssettm $0x1  }
0x9: {  	s18 =	sld [smem:$0x3FFB];
	_ =	sdelay $0x3  }
0xa: {  	_ =	strace s18  }
0xb: {  	s1 =	sld [smem:$0x3FFC];
	_ =	sdelay $0x3  }
0xc: {  	_ =	strace s1  }
0xd: {  	s1 =	sld [smem:$0x3FFD];
	_ =	sdelay $0x3  }
0xe: {  	_ =	strace s1  }
0xf: {  	_ =	strace $0x8FFFFFFF  }
0x10: {  	s19 =	sld [smem:$0x3FDB];
	_ =	sdelay $0x1  }
0x11: {  	s20 =	simm.s32 $_scs_section_size  }
0x12: {  	s4 =	simm.s32 $_size__tile_overlayer_lowered;
	s5 =	simm.s32 $_tile_overlayer_lowered  }
0x13: {  	s23 =	simm.s32 $0x1BFF;
	s22 =	sshll.u32 s5, $0x1;
	s1 =	sadd.s32 s20, s19  }
0x14: {  	s6 =	simm.s32 $0x0;
	s21 =	sshll.u32 s4, $0x1;
	s4 =	sadd.s32 s22, s1  }
0x15: {  	[timem:s6], [sflag:s23] =	dma.local [hbm:s4], s21  }
0x16: {  	_ =	swait.ge [sflag:s23], s21  }
0x17: {  	s2 =	ssub.s32 $0x0, s21;
	[sflag:s23] =	ssyncset.done $0x0  }
0x18: {  	[sflag:s23] =	ssyncadd.s32 s2;
	_ =	sdelay $0x1  }
0x19: {  	s24 =	simm.s32 $0x1B8B  }
0x1a: {  	_ =	swait.ge [sflag:s24], $0x1  }
0x1b: {  	[sflag:s24] =	ssyncset.done $0x0  }
0x1c: {  	s26 =	simm.s32 $0x1B8E;
	s25 =	sld [smem:$0x3FFE];
	[sflag:s24] =	ssyncadd.s32 $0xFFFFFFFF  }
0x1d: {  	s27 =	simm.s32 $execute0_lowered;
	[smem:$0x3FD2] =	sst s26  }
0x1e: {  	s4 =	sshll.u32 s27, $0x1;
	_ =	strace $0x80000046;
	[dreg:$0x1] =	wrdreg $0xFFFFFFFF  }
0x1f: {  	s28 =	simm.s32 $_size_execute0_lowered;
	s1 =	sadd.s32 s1, s4;
	[dreg:$0x0] =	wrdreg $0x0  }
0x20: {  	s4 =	sshll.u32 s28, $0x1;
	[dreg:$0x2] =	wrdreg s1  }
0x21: {  	[dreg:$0x3] =	wrdreg s4  }
0x22: {  	[dreg:$0x4] =	wrdreg $0xC0  }
0x23: {  	_ =	task [dreg:s6], $0x5FFFF  }
0x24: {  	[dreg:$0x1] =	wrdreg $0xFFFFFFFF  }
0x25: {  	[dreg:$0x0] =	wrdreg $0x60  }
0x26: {  	[dreg:$0x2] =	wrdreg s25  }
0x27: {  	[dreg:$0x3] =	wrdreg $0x9  }
0x28: {  	_ =	task.clear_ibuf [dreg:s6], $0x4FFFF;
	_ =	strace $0x90000046  }
0x29: {  	s29 =	simm.s32 $0x9;
	_ =	strace $0x80000048  }
0x2a: {  	_ =	swait.ge [sflag:s29], $0x1  }
0x2b: {  	[sflag:s29] =	ssyncadd.s32 $0xFFFFFFFF  }
0x2c: {  	_ =	strace $0x90000048  }
0x2d: {  	_ =	sfence  }
0x2e: {  	s30 =	sld [smem:$0x0];
	_ =	sdelay $0x2  }
0x2f: {  	s31 =	sshll.u32 s3, $0xD;
	s3 =	sshrl.u32 s3, $0x2  }
0x30: {  	s2 =	sand.u32 $0x4000, s31;
	s1 =	sadd.s32 s3, s30  }
0x31: {  	s0 =	sor.u32 s2, s0;
	s1 =	sshll.u32 s1, $0x11  }
0x32: {  	s0 =	sor.u32 s1, s0  }
0x33: {  	s0 =	sadd.s32 $0x8F2B, s0  }
0x34: {  	[sflag:s0] =	ssyncadd.remote.s32 $0x1  }
0x35: {  	_ =	sfence.sel $0xFFFF  }
0x36: {  	[dreg:$0x0] =	wrdreg $0xFFFFFFFF;
	(pc) =	sbr.abs _section_cstart, $3  }
0x37: {  	[dreg:$0x1] =	wrdreg $0xFFFFFFFF  }
0x38: {  	_ =	task.clear_ibuf [dreg:s6], $0x2FFFF;
	_ =	strace $0x9FFFFFFF  }
0x39: {  	(tm) =	ssettm $0x7FFFFFFF  }
tec
execute0_lowered:
.L_overlay_start_1:
0x0: {  	(tag) =	ssettag $0x1  }
0x1: {  	s1 =	rddreg [dreg:$0x0]  }
0x2: {  	s0 =	rddreg [dreg:$0x1]  }
0x3: {  	_ =	strace $0x80000047;
	s4 =	srdreg.scid;
	s6 =	simm.s32 $0x2  }
0x4: {  	s11 =	simm.s32 $0x0;
	p0 =	por $0x0, $0x0;
	s7 =	simm.s32 $0x10000  }
.Ltmp0:
0x5: {  	s12 =	simm.s32 $0x0;
	s9 =	simm.s32 $0x0;
	(pc) =	sbr.rel .LBB1_1-.Ltmp0, $4  }
0x6: {  	s2 =	sadd.s32 $0xC00, s1;
	s3 =	sadd.s32 $0x840C00, s1;
	s5 =	sshll.u32 s4, $0x4  }
0x7: {  	s1 =	stileid.u32;
	s4 =	simm.s32 $0x1;
	s5 =	sand.u32 $0x10, s5  }
0x8: {  	s8 =	simm.s32 $0x0;
	[sflag:s4] =	ssyncpa.u1 $0x0;
	s5 =	sor.u32 s1, s5  }
0x9: {  	[sflag:s6] =	ssyncpa.u1 $0x0;
	s6 =	simm.s32 $0x800;
	s10 =	smov.u32 s5  }
.LBB1_7:
0xa: {  	s13 =	sadd.s32 $0x10, s9  }
0xb: {  	s11 =	sadd.s32 $0x20, s10;
	s15 =	smov.u32 s10;
	p2 =	sgt.s32 s13, $0x1FF  }
0xc: {  	p1 =	slt.u32 s8, $0x2;
	s15 =	smov.u32 @p2 s11  }
0xd: {  	s8 =	sadd.s32 $0x1, s8;
	s13 =	simm.s32 @p2 $0x0;
	p2 =	sgt.s32 s15, $0x7F  }
0xe: {  	s15 =	smov.u32 @p2 s5;
	p2 =	sne.s32 s8, $0x82  }
.Ltmp1:
0xf: {  	_ = 	snop;
	(pc) =	sbr.rel @!p2 .LBB1_8-.Ltmp1, $4  }
0x10: {  	s14 =	simm.s32 @!p1 $0x2  }
0x11: {  	s12 =	smov.u32 s10;
	_ =	swait.ge @!p1 [sflag:s14], $0x4000  }
0x12: {  	p0 =	por !p0, !p0;
	s11 =	smov.u32 s9;
	[sflag:s14] =	ssyncset.done @!p1 $0x0  }
0x13: {  	s9 =	smov.u32 s13;
	[sflag:s14] =	ssyncadd.s32 @!p1 $0xFFFFC000;
	s10 =	smov.u32 s15  }
.LBB1_1:
0x14: {  	p1 =	sgt.u32 s8, $0x7F  }
0x15: {  	s13 =	sxor.u32 @!p1 $0xFFFFFFFF, s8;
	s14 =	sshll.u32 @!p1 s10, $0x10  }
0x16: {  	s15 =	sshll.u32 @!p1 s9, $0x7;
	s13 =	sshll.u32 @!p1 s13, $0xE;
	s14 =	sadd.s32 @!p1 s2, s14  }
0x17: {  	s13 =	sand.u32 @!p1 $0x4000, s13;
	s14 =	sadd.s32 @!p1 s15, s14;
	s15 =	simm.s32 @!p1 $0x0  }
0x18: {  	[tilespmem:s13], [sflag:$0x1] =	stream.linear.gather @!p1 [hbm4b:s14+s15], $0x4000, $0x38;
	[tilespmem:$0x10000] =	vst v63  }
0x19: {  	p1 =	seq.s32 s8, $0x0  }
0x1a: {  	p2 =	seq.s32 @!p1 s8, $0x81  }
0x1b: {  	p1 =	por p1, p2  }
.Ltmp2:
0x1c: {  	_ = 	snop;
	(pc) =	sbr.rel @p1 .LBB1_7-.Ltmp2, $1  }
0x1d: {  	_ =	sdelay $0x3  }
0x1e: {  	s13 =	simm.s32 $0x1;
	_ =	swait.ge [sflag:s4], $0x4000;
	s16 =	sshll.u32 s8, $0xE  }
0x1f: {  	s13 =	simm.s32 @!p0 $0x0;
	[sflag:s4] =	ssyncset.done $0x0;
	s31 =	sand.u32 $0x4000, s16  }
0x20: {  	s16 =	simm.s32 $0x0;
	s14 =	sshll.u32 s13, $0xE;
	[sflag:s4] =	ssyncadd.s32 $0xFFFFC000  }
0x21: {  	s13 =	sor.u32 $0x8040, s14;
	s15 =	sor.u32 $0x40, s14;
	s14 =	sor.u32 $0x8000, s31  }
.LBB1_3:
0x22: {  	v0 =	vmov s15;
	_ =	sdelay $0x3  }
0x23: {  	s18 =	simm.s32 $0x0  }
0x24: {  	v6 =	vld.idx.msk [tilespmem:v0+s18+$0x30 ss:$0x1], $0xffff  }
0x25: {  	v7 =	vld.idx.msk [tilespmem:v0+s18+$0xFFFFFFC0 ss:$0x1], $0xffff  }
0x26: {  	v5 =	vld.idx.msk [tilespmem:v0+s18+$0xFFFFFFD0 ss:$0x1], $0xffff  }
0x27: {  	v4 =	vld.idx.msk [tilespmem:v0+s18+$0xFFFFFFE0 ss:$0x1], $0xffff  }
0x28: {  	v3 =	vld.idx.msk [tilespmem:v0+s18+$0xFFFFFFF0 ss:$0x1], $0xffff  }
0x29: {  	v1 =	vld.idx.msk [tilespmem:v0+s18+$0x0 ss:$0x1], $0xffff  }
0x2a: {  	v2 =	vld.idx.msk [tilespmem:v0+s18+$0x10 ss:$0x1], $0xffff;
	[tilespmem:s13+$0x30] =	vst v6  }
0x2b: {  	s17 =	simm.s32 $0x80;
	s19 =	simm.s32 $0x400;
	[tilespmem:s13+$0xFFFFFFC0] =	vst v7;
	v6 =	vld.idx.msk [tilespmem:v0+s18+$0x20 ss:$0x1], $0xffff;
	s18 =	smov.u32 s13  }
.LBB1_4:
0x2c: {  	p1 =	sne.s32 s19, $0xE00;
	v7 =	vld.idx.msk [tilespmem:v0+s17+$0x30 ss:$0x1], $0xffff;
	[tilespmem:s18+$0xFFFFFFD0] =	vst v5  }
0x2d: {  	v8 =	vld.idx.msk [tilespmem:v0+s17+$0xFFFFFFC0 ss:$0x1], $0xffff;
	[tilespmem:s18+$0xFFFFFFE0] =	vst v4  }
0x2e: {  	v5 =	vld.idx.msk [tilespmem:v0+s17+$0xFFFFFFD0 ss:$0x1], $0xffff;
	[tilespmem:s18+$0xFFFFFFF0] =	vst v3  }
.Ltmp3:
0x2f: {  	v4 =	vld.idx.msk [tilespmem:v0+s17+$0xFFFFFFE0 ss:$0x1], $0xffff;
	[tilespmem:s18+$0x0] =	vst v1;
	(pc) =	sbr.rel @p1 .LBB1_4-.Ltmp3, $4  }
0x30: {  	v3 =	vld.idx.msk [tilespmem:v0+s17+$0xFFFFFFF0 ss:$0x1], $0xffff;
	[tilespmem:s18+$0x10] =	vst v2  }
0x31: {  	v1 =	vld.idx.msk [tilespmem:v0+s17+$0x0 ss:$0x1], $0xffff;
	[tilespmem:s18+$0x20] =	vst v6;
	s18 =	sadd.s32 $0x800, s18  }
0x32: {  	v2 =	vld.idx.msk [tilespmem:v0+s17+$0x10 ss:$0x1], $0xffff;
	[tilespmem:s18+$0x30] =	vst v7  }
0x33: {  	[tilespmem:s18+$0xFFFFFFC0] =	vst v8;
	v6 =	vld.idx.msk [tilespmem:v0+s17+$0x20 ss:$0x1], $0xffff;
	s17 =	sshra.s32 s19, $0x2;
	s19 =	sadd.s32 $0x200, s19  }
0x34: {  	_ =	sdelay $0x2  }
0x35: {  	[tilespmem:s18+$0xFFFFFFD0] =	vst v5  }
0x36: {  	v56 =	vld.idx.msk [tilespmem:v0+s17+$0x30 ss:$0x1], $0xffff;
	[tilespmem:s18+$0xFFFFFFE0] =	vst v4  }
0x37: {  	v57 =	vld.idx.msk [tilespmem:v0+s17+$0xFFFFFFC0 ss:$0x1], $0xffff;
	[tilespmem:s18+$0xFFFFFFF0] =	vst v3  }
0x38: {  	v58 =	vld.idx.msk [tilespmem:v0+s17+$0xFFFFFFD0 ss:$0x1], $0xffff;
	[tilespmem:s18+$0x0] =	vst v1  }
0x39: {  	v59 =	vld.idx.msk [tilespmem:v0+s17+$0xFFFFFFE0 ss:$0x1], $0xffff;
	[tilespmem:s18+$0x10] =	vst v2  }
0x3a: {  	v60 =	vld.idx.msk [tilespmem:v0+s17+$0xFFFFFFF0 ss:$0x1], $0xffff;
	s31 =	sadd.s32 $0x800, s18;
	[tilespmem:s18+$0x20] =	vst v6  }
0x3b: {  	v61 =	vld.idx.msk [tilespmem:v0+s17+$0x0 ss:$0x1], $0xffff;
	[tilespmem:s31+$0x30] =	vst v56  }
0x3c: {  	v62 =	vld.idx.msk [tilespmem:v0+s17+$0x10 ss:$0x1], $0xffff;
	s16 =	sadd.s32 $0x1, s16;
	[tilespmem:s31+$0xFFFFFFC0] =	vst v57  }
0x3d: {  	v63 =	vld.idx.msk [tilespmem:v0+s17+$0x20 ss:$0x1], $0xffff;
	p1 =	sne.s32 s16, $0x10;
	[tilespmem:s31+$0xFFFFFFD0] =	vst v58  }
.Ltmp4:
0x3e: {  	[tilespmem:s31+$0xFFFFFFE0] =	vst v59;
	(pc) =	sbr.rel @p1 .LBB1_3-.Ltmp4, $4  }
0x3f: {  	[tilespmem:s31+$0xFFFFFFF0] =	vst v60  }
0x40: {  	[tilespmem:s31+$0x0] =	vst v61  }
0x41: {  	[tilespmem:s31+$0x10] =	vst v62  }
0x42: {  	s13 =	sadd.s32 $0x80, s13;
	s15 =	sadd.s32 $0x400, s15;
	[tilespmem:s31+$0x20] =	vst v63  }
.Ltmp5:
0x43: {  	(pc) =	sbr.rel .LBB1_7-.Ltmp5, $4  }
0x44: {  	s12 =	sshll.u32 s12, $0x10;
	s11 =	sshll.u32 s11, $0x4  }
0x45: {  	s11 =	sand.u32 $0x1FF0, s11;
	s12 =	sadd.s32 s3, s12  }
0x46: {  	s11 =	sadd.s32 s11, s12  }
0x47: {  	[hbm4b:s11+s6] =	stream.strided.scatter [tilespmem:s14], [sflag:$0x2], $0x4000, s7, s6, $0x38;
	[tilespmem:$0x10000] =	vst v63  }
.LBB1_8:
0x48: {  	_ =	sfence.sel $0x180000  }
0x49: {  	s2 =	simm.s32 $0x1;
	[bflag:$0x0] =	sbarrier.arrive $0xFFFF  }
0x4a: {  	s31 =	simm.s32 $0x2;
	[sflag:s2] =	ssyncpa.u1 $0x1  }
0x4b: {  	[sflag:s31] =	ssyncpa.u1 $0x1  }
0x4c: {  	p0 =	sne.s32 s1, $0x0;
	_ =	strace $0x90000047  }
0x4d: {  	s0 =	sadd.s32 @!p0 $0x100000, s0;
	[bflag:$0x2] =	sbarrier.arrive $0xFFFF  }
0x4e: {  	[sflag:s0] =	ssyncadd.tile.s32 @!p0 $0x1;
	_ =	shalt  }
.Lfunc_end1:
_tile_overlayer_lowered:
.L_overlay_start_2:
0x4f: {  	(tag) =	ssettag $0x2  }
0x50: {  	s0 =	rddreg [dreg:$0x0];
	s2 =	stileid.u32  }
0x51: {  	s1 =	rddreg [dreg:$0x1];
	p0 =	sne.s32 s2, $0x0  }
0x52: {  	s3 =	rddreg [dreg:$0x2];
	[bflag:$0x3] =	sbarrier.arrive $0xFFFF;
	s2 =	simm.s32 @!p0 $0x1C01  }
0x53: {  	[timem:s3], [sflag:s2] =	dma.local @!p0 [hbm:s0], s1  }
0x54: {  	s0 =	simm.s32 @!p0 $0x1  }
0x55: {  	_ =	swait.ge @!p0 [sflag:s0], s1  }
0x56: {  	s1 =	ssub.s32 @!p0 $0x0, s1;
	[sflag:s0] =	ssyncset.done @!p0 $0x0  }
0x57: {  	[sflag:s0] =	ssyncadd.s32 @!p0 s1  }
0x58: {  	[bflag:$0x3] =	sbarrier.arrive $0xFFFF  }
0x59: {  	_ =	shalt  }

</sc_bundles>
